<compile_context>
chip_gen: v7x
topology: tpu7x:2x2x1
jax: 0.10.2.dev20260603
libtpu: 0.0.44.dev20260713+nightly
codegen_flags: <defaults>
</compile_context>

<pallas_src>
import functools

import jax
import jax.numpy as jnp
from jax import lax
from jax.experimental import pallas as pl
from jax.experimental.pallas import tpu as pltpu
from jax.experimental.pallas import tpu_sc as plsc

N = 10000
D = 128
E = 320000

NCORES = 2
NTILES = 16
CHUNK = 128
NCH = 160
IB = 40
NIB = NCH // IB
EPAD = NTILES * NCH * CHUNK
NACC = 10240
RPT = NACC // NTILES

@functools.cache
def _sc_degree_kernel():
    mesh = plsc.VectorSubcoreMesh(core_axis_name="c", subcore_axis_name="s")

    @functools.partial(
        pl.kernel,
        mesh=mesh,
        out_type=jax.ShapeDtypeStruct((NCORES * NACC, D), jnp.float32),
        scratch_types=[
            pltpu.VMEM((NCH, CHUNK), jnp.int32),
            pltpu.VMEM((CHUNK, D), jnp.float32),
            pltpu.VMEM_SHARED((NACC, D), jnp.float32),
        ],
    )
    def _sc_degree(dst_hbm, ones_hbm, zeros_hbm, out_hbm, dst_v, ones_v, acc_sh):
        c = lax.axis_index("c")
        s = lax.axis_index("s")
        wid = c * NTILES + s
        pltpu.sync_copy(dst_hbm.at[pl.ds(wid * NCH, NCH)], dst_v)
        pltpu.sync_copy(ones_hbm, ones_v)
        pltpu.sync_copy(zeros_hbm, acc_sh.at[pl.ds(s * RPT, RPT)])
        plsc.subcore_barrier()

        def body(j, carry):
            pltpu.sync_copy(ones_v, acc_sh.at[dst_v.at[j]], add=True)
            return carry

        lax.fori_loop(0, NCH, body, 0)
        plsc.subcore_barrier()
        pltpu.sync_copy(acc_sh.at[pl.ds(s * RPT, RPT)],
                        out_hbm.at[pl.ds(wid * RPT, RPT)])

    return _sc_degree


@functools.cache
def _sc_scatter_kernel():
    mesh = plsc.VectorSubcoreMesh(core_axis_name="c", subcore_axis_name="s")

    @functools.partial(
        pl.kernel,
        mesh=mesh,
        out_type=jax.ShapeDtypeStruct((NCORES * NACC, D), jnp.float32),
        scratch_types=[
            pltpu.VMEM((IB, CHUNK), jnp.int32),
            pltpu.VMEM((IB, CHUNK), jnp.int32),
            pltpu.VMEM((2, CHUNK, D), jnp.float32),
            pltpu.VMEM_SHARED((NACC, D), jnp.float32),
            pltpu.SemaphoreType.DMA,
            pltpu.SemaphoreType.DMA,
            pltpu.SemaphoreType.DMA,
            pltpu.SemaphoreType.DMA,
        ],
    )
    def _sc_scatter(g_hbm, src_hbm, dst_hbm, zeros_hbm, out_hbm,
                    src_v, dst_v, rows_v, acc_sh, gsem0, gsem1, ssem0, ssem1):
        c = lax.axis_index("c")
        s = lax.axis_index("s")
        wid = c * NTILES + s
        pltpu.sync_copy(zeros_hbm, acc_sh.at[pl.ds(s * RPT, RPT)])
        plsc.subcore_barrier()
        gsems = (gsem0, gsem1)
        ssems = (ssem0, ssem1)

        H = CHUNK // 2

        def gath(j, b):
            pltpu.async_copy(g_hbm.at[src_v.at[j, pl.ds(0, H)]],
                             rows_v.at[b, pl.ds(0, H)], gsems[b])
            pltpu.async_copy(g_hbm.at[src_v.at[j, pl.ds(H, H)]],
                             rows_v.at[b, pl.ds(H, H)], gsems[b])

        def gath_wait(j, b):
            pltpu.make_async_copy(g_hbm.at[src_v.at[j, pl.ds(0, H)]],
                                  rows_v.at[b, pl.ds(0, H)], gsems[b]).wait()
            pltpu.make_async_copy(g_hbm.at[src_v.at[j, pl.ds(H, H)]],
                                  rows_v.at[b, pl.ds(H, H)], gsems[b]).wait()

        def scat(j, b):
            pltpu.async_copy(rows_v.at[b], acc_sh.at[dst_v.at[j]], ssems[b],
                             add=True)

        def scat_wait(j, b):
            pltpu.make_async_copy(rows_v.at[b], acc_sh.at[dst_v.at[j]],
                                  ssems[b]).wait()

        def block(ib, carry):
            base = wid * NCH + ib * IB
            pltpu.sync_copy(src_hbm.at[pl.ds(base, IB)], src_v)
            pltpu.sync_copy(dst_hbm.at[pl.ds(base, IB)], dst_v)
            gath(0, 0)
            gath(1, 1)

            def pair(jj, carry2):
                for b in range(2):
                    j = 2 * jj + b
                    gath_wait(j, b)
                    scat(j, b)

                    @pl.when(j + 2 < IB)
                    def _refill():
                        scat_wait(j, b)
                        gath(j + 2, b)
                return carry2

            lax.fori_loop(0, IB // 2, pair, 0)
            scat_wait(IB - 2, 0)
            scat_wait(IB - 1, 1)
            return carry

        lax.fori_loop(0, NIB, block, 0)
        plsc.subcore_barrier()
        pltpu.sync_copy(acc_sh.at[pl.ds(s * RPT, RPT)],
                        out_hbm.at[pl.ds(wid * RPT, RPT)])

    return _sc_scatter


_BLK = 2000


def _dinv(deg_blk):
    return lax.rsqrt(1.0 + deg_blk[:, :1])


def _tc_l1_body(x_ref, w_ref, deg_ref, g_ref):
    h = jnp.dot(x_ref[...], w_ref[...], preferred_element_type=jnp.float32)
    g_ref[...] = h * _dinv(deg_ref[...])


def _tc_mid_body(s_ref, g_ref, deg_ref, w_ref, b_ref, o_ref):
    dinv = _dinv(deg_ref[...])
    t = dinv * (s_ref[...] + g_ref[...]) + b_ref[...]
    h = jnp.dot(t, w_ref[...], preferred_element_type=jnp.float32)
    o_ref[...] = h * dinv


def _tc_out_body(s_ref, g_ref, deg_ref, b_ref, o_ref):
    o = _dinv(deg_ref[...]) * (s_ref[...] + g_ref[...]) + b_ref[...]
    denom = jnp.clip(jnp.sum(jnp.abs(o), axis=1, keepdims=True), 1e-12, None)
    o_ref[...] = o / denom


def _row_spec(width):
    return pl.BlockSpec((_BLK, width), lambda i: (i, 0))


def _full_spec(shape):
    return pl.BlockSpec(shape, lambda i: (0, 0))


def _tc_l1(x, w, deg):
    return pl.pallas_call(
        _tc_l1_body,
        grid=(x.shape[0] // _BLK,),
        in_specs=[_row_spec(D), _full_spec((D, D)), _row_spec(D)],
        out_specs=_row_spec(D),
        out_shape=jax.ShapeDtypeStruct(x.shape, jnp.float32),
    )(x, w, deg)


def _tc_mid(sacc, g, deg, w, b):
    return pl.pallas_call(
        _tc_mid_body,
        grid=(g.shape[0] // _BLK,),
        in_specs=[_row_spec(D), _row_spec(D), _row_spec(D),
                  _full_spec((D, D)), _full_spec((1, D))],
        out_specs=_row_spec(D),
        out_shape=jax.ShapeDtypeStruct(g.shape, jnp.float32),
    )(sacc, g, deg, w, b)


def _tc_out(sacc, g, deg, b):
    return pl.pallas_call(
        _tc_out_body,
        grid=(g.shape[0] // _BLK,),
        in_specs=[_row_spec(D), _row_spec(D), _row_spec(D),
                  _full_spec((1, D))],
        out_specs=_row_spec(D),
        out_shape=jax.ShapeDtypeStruct(g.shape, jnp.float32),
    )(sacc, g, deg, b)


def _pad_to(a, val):
    return jnp.concatenate(
        [a, jnp.full((EPAD - E,), val, jnp.int32)]).reshape(NTILES * NCH, CHUNK)


def _trim(a2):
    w = a2.shape[-1]
    return a2.reshape(NCORES, NACC, w)[:, :N, :].reshape(NCORES * N, w)


def kernel(x1, edge_index1, x2, edge_index2, W1, b1, W2, b2):
    ei1 = edge_index1.astype(jnp.int32)
    ei2 = edge_index2.astype(jnp.int32)
    srcs = jnp.concatenate([_pad_to(ei1[0], 0), _pad_to(ei2[0] + N, N)], axis=0)
    dsts = jnp.concatenate([_pad_to(ei1[1], N), _pad_to(ei2[1], N)], axis=0)

    onesD = jnp.ones((CHUNK, D), jnp.float32)
    zerosD = jnp.zeros((RPT, D), jnp.float32)

    deg = _trim(_sc_degree_kernel()(dsts, onesD, zerosD))
    x = jnp.concatenate([x1, x2], axis=0)
    b1r = b1.reshape(1, D)
    b2r = b2.reshape(1, D)

    scat = _sc_scatter_kernel()
    g1 = _tc_l1(x, W1, deg)
    s1 = _trim(scat(g1, srcs, dsts, zerosD))
    g2 = _tc_mid(s1, g1, deg, W2, b1r)
    s2 = _trim(scat(g2, srcs, dsts, zerosD))
    out = _tc_out(s2, g2, deg, b2r)
    return out[:N], out[N:]

# --- scband reference (transcript-rebuilt; emitter-appended) ---
"""Pipeline reference for scband-bright-gcn-33878702031063 (READ-ONLY COPY).

The authoritative reference and input builder live on the scoring server;
editing this copy changes nothing except your own understanding.
"""

import jax, jax.numpy as jnp
import numpy as np

N = 10000
D_FEAT = 128
DIM = 128
E = 320000


def gcn_conv(x, edge_index, W, b):
    n = x.shape[0]
    src = edge_index[0]
    dst = edge_index[1]
    loop = jnp.arange(n, dtype=edge_index.dtype)
    src = jnp.concatenate([src, loop])
    dst = jnp.concatenate([dst, loop])
    deg = jnp.zeros((n,), dtype=x.dtype).at[dst].add(1.0)
    dinv = jnp.where(deg > 0, deg ** -0.5, 0.0)
    norm = dinv[src] * dinv[dst]
    h = x @ W
    msg = h[src] * norm[:, None]
    out = jax.ops.segment_sum(msg, dst, num_segments=n)
    return out + b


def l1_normalize(x, eps=1e-12):
    denom = jnp.clip(jnp.sum(jnp.abs(x), axis=1, keepdims=True), eps, None)
    return x / denom


def setup_inputs(seed: int = 0) -> dict:
    key = jax.random.key(seed)
    ks = jax.random.split(key, 8)
    x1 = jax.random.normal(ks[0], (N, D_FEAT), dtype=jnp.float32)
    edge_index1 = jax.random.randint(ks[1], (2, E), 0, N, dtype=jnp.int64)
    x2 = jax.random.normal(ks[2], (N, D_FEAT), dtype=jnp.float32)
    edge_index2 = jax.random.randint(ks[3], (2, E), 0, N, dtype=jnp.int64)
    # weights of gcn1 (NOTE: original forward reuses self.gcn1 for both graphs)
    W1 = jax.random.normal(ks[4], (D_FEAT, DIM), dtype=jnp.float32) * 0.05
    b1 = jnp.zeros((DIM,), dtype=jnp.float32)
    W2 = jax.random.normal(ks[5], (DIM, DIM), dtype=jnp.float32) * 0.05
    b2 = jnp.zeros((DIM,), dtype=jnp.float32)
    return {"x1": x1, "edge_index1": edge_index1, "x2": x2, "edge_index2": edge_index2, "W1": W1, "b1": b1, "W2": W2, "b2": b2}


def reference(x1, edge_index1, x2, edge_index2, W1, b1, W2, b2):
    h1 = gcn_conv(x1, edge_index1, W1, b1)
    h1 = gcn_conv(h1, edge_index1, W2, b2)
    h2 = gcn_conv(x2, edge_index2, W1, b1)
    h2 = gcn_conv(h2, edge_index2, W2, b2)
    return (l1_normalize(h1), l1_normalize(h2))

if __name__ == "__main__":
    import jax
    _d = setup_inputs()
    print(jax.jit(kernel)(*tuple(_d.values())))

</pallas_src>

<mosaic_0001>
#map = affine_map<(d0, d1) -> (0, 0)>
module attributes {stable_mosaic.version = 14 : i64} {
  func.func @_sc_degree(%arg0: i32, %arg1: i32, %arg2: memref<5120x128xi32, #tpu.memory_space<hbm>>, %arg3: memref<128x128xf32, #tpu.memory_space<hbm>>, %arg4: memref<640x128xf32, #tpu.memory_space<hbm>>, %arg5: memref<20480x128xf32, #tpu.memory_space<hbm>>, %arg6: memref<160x128xi32, #tpu.memory_space<vmem>>, %arg7: memref<128x128xf32, #tpu.memory_space<vmem>>, %arg8: memref<10240x128xf32, #tpu.memory_space<vmem_shared>>) attributes {dimension_semantics = [#tpu.dimension_semantics<core_parallel>, #tpu.dimension_semantics<subcore_parallel>], iteration_bounds = array<i64: 2, 16>, scalar_prefetch = 0 : i64, scratch_operands = 3 : i64, tpu.core_type = #tpu.core_type<sc_vector_subcore>, window_params = [{transform_indices = #map}, {transform_indices = #map}, {transform_indices = #map}, {transform_indices = #map}]} {
    %mul3A = arith.constant 16 : i32
    %mul3A_0 = arith.muli %arg0, %mul3A : i32
    %add3A = arith.addi %mul3A_0, %arg1 : i32
    %mul3A_1 = arith.constant 160 : i32
    %mul3A_2 = arith.muli %add3A, %mul3A_1 : i32
    "tpu.region"() ({
      %run_scoped3A = tpu.sem_alloc : memref<!tpu.dma_semaphore, #tpu.memory_space<semaphore_mem>>
      %dma_start3A = arith.constant 0 : i32
      %dma_start3A_15 = tpu.memref_slice %arg2[%mul3A_2, %dma_start3A] : memref<5120x128xi32, #tpu.memory_space<hbm>> -> memref<160x128xi32, #tpu.memory_space<hbm>>
      %dma_start3A_16 = arith.constant 0 : i32
      %dma_start3A_17 = tpu.memref_slice %arg2[%mul3A_2, %dma_start3A_16] : memref<5120x128xi32, #tpu.memory_space<hbm>> -> memref<160x128xi32, #tpu.memory_space<hbm>>
      tpu.enqueue_dma source(%dma_start3A_17 : memref<160x128xi32, #tpu.memory_space<hbm>>) target(%arg6 : memref<160x128xi32, #tpu.memory_space<vmem>>) target_semaphore(%run_scoped3A : memref<!tpu.dma_semaphore, #tpu.memory_space<semaphore_mem>>)
      %dma_wait3A = arith.constant 0 : i32
      %dma_wait3A_18 = tpu.memref_slice %arg2[%mul3A_2, %dma_wait3A] : memref<5120x128xi32, #tpu.memory_space<hbm>> -> memref<160x128xi32, #tpu.memory_space<hbm>>
      %dma_wait3A_19 = arith.constant 0 : i32
      %dma_wait3A_20 = tpu.memref_slice %arg2[%mul3A_2, %dma_wait3A_19] : memref<5120x128xi32, #tpu.memory_space<hbm>> -> memref<160x128xi32, #tpu.memory_space<hbm>>
      tpu.wait_dma2 semaphore(%run_scoped3A : memref<!tpu.dma_semaphore, #tpu.memory_space<semaphore_mem>>) src(%dma_wait3A_20 : memref<160x128xi32, #tpu.memory_space<hbm>>) dst(%arg6 : memref<160x128xi32, #tpu.memory_space<vmem>>)
      tpu.yield
    }) : () -> ()
    "tpu.region"() ({
      %run_scoped3A = tpu.sem_alloc : memref<!tpu.dma_semaphore, #tpu.memory_space<semaphore_mem>>
      tpu.enqueue_dma source(%arg3 : memref<128x128xf32, #tpu.memory_space<hbm>>) target(%arg7 : memref<128x128xf32, #tpu.memory_space<vmem>>) target_semaphore(%run_scoped3A : memref<!tpu.dma_semaphore, #tpu.memory_space<semaphore_mem>>)
      tpu.wait_dma2 semaphore(%run_scoped3A : memref<!tpu.dma_semaphore, #tpu.memory_space<semaphore_mem>>) src(%arg3 : memref<128x128xf32, #tpu.memory_space<hbm>>) dst(%arg7 : memref<128x128xf32, #tpu.memory_space<vmem>>)
      tpu.yield
    }) : () -> ()
    %mul3A_3 = arith.constant 640 : i32
    %mul3A_4 = arith.muli %arg1, %mul3A_3 : i32
    "tpu.region"() ({
      %run_scoped3A = tpu.sem_alloc : memref<!tpu.dma_semaphore, #tpu.memory_space<semaphore_mem>>
      %dma_start3A = arith.constant 0 : i32
      %dma_start3A_15 = tpu.memref_slice %arg8[%mul3A_4, %dma_start3A] : memref<10240x128xf32, #tpu.memory_space<vmem_shared>> -> memref<640x128xf32, #tpu.memory_space<vmem_shared>>
      tpu.enqueue_dma source(%arg4 : memref<640x128xf32, #tpu.memory_space<hbm>>) target(%dma_start3A_15 : memref<640x128xf32, #tpu.memory_space<vmem_shared>>) target_semaphore(%run_scoped3A : memref<!tpu.dma_semaphore, #tpu.memory_space<semaphore_mem>>)
      %dma_wait3A = arith.constant 0 : i32
      %dma_wait3A_16 = tpu.memref_slice %arg8[%mul3A_4, %dma_wait3A] : memref<10240x128xf32, #tpu.memory_space<vmem_shared>> -> memref<640x128xf32, #tpu.memory_space<vmem_shared>>
      tpu.wait_dma2 semaphore(%run_scoped3A : memref<!tpu.dma_semaphore, #tpu.memory_space<semaphore_mem>>) src(%arg4 : memref<640x128xf32, #tpu.memory_space<hbm>>) dst(%dma_wait3A_16 : memref<640x128xf32, #tpu.memory_space<vmem_shared>>)
      tpu.yield
    }) : () -> ()
    %barrier3A = arith.constant 0 : index
    tpu.barrier barrier_id(%barrier3A)
    %scan3A = arith.constant 0 : i32
    %scan3A_5 = arith.constant 0 : i32
    %scan3A_6 = arith.constant 160 : i32
    %scan3A_7 = arith.addi %scan3A_5, %scan3A_6 : i32
    %scan3A_8 = arith.constant 1 : i32
    scf.for %scan3A_15 = %scan3A_5 to %scan3A_7 step %scan3A_8  : i32 {
      "tpu.region"() ({
        %run_scoped3A = tpu.sem_alloc : memref<!tpu.dma_semaphore, #tpu.memory_space<semaphore_mem>>
        %dma_start3A = arith.constant 0 : i32
        %dma_start3A_16 = tpu.memref_slice %arg6[%scan3A_15, %dma_start3A] : memref<160x128xi32, #tpu.memory_space<vmem>> -> memref<1x128xi32, #tpu.memory_space<vmem>>
        %dma_start3A_17 = tpu.memref_squeeze %dma_start3A_16 : memref<1x128xi32, #tpu.memory_space<vmem>> -> memref<128xi32, #tpu.memory_space<vmem>>
        %dma_start3A_18 = arith.constant 0 : i32
        %dma_start3A_19 = arith.constant 0 : i32
        %dma_start3A_20 = tpu.memref_slice %arg8[%dma_start3A_18, %dma_start3A_19] : memref<10240x128xf32, #tpu.memory_space<vmem_shared>> -> memref<10240x128xf32, #tpu.memory_space<vmem_shared>>
        tpu.enqueue_indirect_dma source(%arg7 : memref<128x128xf32, #tpu.memory_space<vmem>>) target(%dma_start3A_20 : memref<10240x128xf32, #tpu.memory_space<vmem_shared>>) offsets(%dma_start3A_17 : memref<128xi32, #tpu.memory_space<vmem>>) semaphore(%run_scoped3A : memref<!tpu.dma_semaphore, #tpu.memory_space<semaphore_mem>>) {add = true}
        %dma_wait3A = arith.constant 0 : i32
        %dma_wait3A_21 = tpu.memref_slice %arg6[%scan3A_15, %dma_wait3A] : memref<160x128xi32, #tpu.memory_space<vmem>> -> memref<1x128xi32, #tpu.memory_space<vmem>>
        %dma_wait3A_22 = tpu.memref_squeeze %dma_wait3A_21 : memref<1x128xi32, #tpu.memory_space<vmem>> -> memref<128xi32, #tpu.memory_space<vmem>>
        %dma_wait3A_23 = arith.constant 0 : i32
        %dma_wait3A_24 = arith.constant 0 : i32
        %dma_wait3A_25 = tpu.memref_slice %arg8[%dma_wait3A_23, %dma_wait3A_24] : memref<10240x128xf32, #tpu.memory_space<vmem_shared>> -> memref<10240x128xf32, #tpu.memory_space<vmem_shared>>
        tpu.wait_indirect_dma semaphore(%run_scoped3A : memref<!tpu.dma_semaphore, #tpu.memory_space<semaphore_mem>>) src(%arg7 : memref<128x128xf32, #tpu.memory_space<vmem>>) dst(%dma_wait3A_25 : memref<10240x128xf32, #tpu.memory_space<vmem_shared>>)
        tpu.yield
      }) : () -> ()
    }
    %scan3A_9 = arith.constant 160 : i32
    %barrier3A_10 = arith.constant 0 : index
    tpu.barrier barrier_id(%barrier3A_10)
    %mul3A_11 = arith.constant 640 : i32
    %mul3A_12 = arith.muli %arg1, %mul3A_11 : i32
    %mul3A_13 = arith.constant 640 : i32
    %mul3A_14 = arith.muli %add3A, %mul3A_13 : i32
    "tpu.region"() ({
      %run_scoped3A = tpu.sem_alloc : memref<!tpu.dma_semaphore, #tpu.memory_space<semaphore_mem>>
      %dma_start3A = arith.constant 0 : i32
      %dma_start3A_15 = tpu.memref_slice %arg5[%mul3A_14, %dma_start3A] : memref<20480x128xf32, #tpu.memory_space<hbm>> -> memref<640x128xf32, #tpu.memory_space<hbm>>
      %dma_start3A_16 = arith.constant 0 : i32
      %dma_start3A_17 = tpu.memref_slice %arg8[%mul3A_12, %dma_start3A_16] : memref<10240x128xf32, #tpu.memory_space<vmem_shared>> -> memref<640x128xf32, #tpu.memory_space<vmem_shared>>
      tpu.enqueue_dma source(%dma_start3A_17 : memref<640x128xf32, #tpu.memory_space<vmem_shared>>) target(%dma_start3A_15 : memref<640x128xf32, #tpu.memory_space<hbm>>) target_semaphore(%run_scoped3A : memref<!tpu.dma_semaphore, #tpu.memory_space<semaphore_mem>>)
      %dma_wait3A = arith.constant 0 : i32
      %dma_wait3A_18 = tpu.memref_slice %arg5[%mul3A_14, %dma_wait3A] : memref<20480x128xf32, #tpu.memory_space<hbm>> -> memref<640x128xf32, #tpu.memory_space<hbm>>
      %dma_wait3A_19 = arith.constant 0 : i32
      %dma_wait3A_20 = tpu.memref_slice %arg8[%mul3A_12, %dma_wait3A_19] : memref<10240x128xf32, #tpu.memory_space<vmem_shared>> -> memref<640x128xf32, #tpu.memory_space<vmem_shared>>
      tpu.wait_dma2 semaphore(%run_scoped3A : memref<!tpu.dma_semaphore, #tpu.memory_space<semaphore_mem>>) src(%dma_wait3A_20 : memref<640x128xf32, #tpu.memory_space<vmem_shared>>) dst(%dma_wait3A_18 : memref<640x128xf32, #tpu.memory_space<hbm>>)
      tpu.yield
    }) : () -> ()
    return
  }
}

#map = affine_map<(d0, d1) -> (0, 0)>
module attributes {stable_mosaic.version = 14 : i64} {
  func.func @_sc_scatter(%arg0: i32, %arg1: i32, %arg2: memref<20000x128xf32, #tpu.memory_space<hbm>>, %arg3: memref<5120x128xi32, #tpu.memory_space<hbm>>, %arg4: memref<5120x128xi32, #tpu.memory_space<hbm>>, %arg5: memref<640x128xf32, #tpu.memory_space<hbm>>, %arg6: memref<20480x128xf32, #tpu.memory_space<hbm>>, %arg7: memref<40x128xi32, #tpu.memory_space<vmem>>, %arg8: memref<40x128xi32, #tpu.memory_space<vmem>>, %arg9: memref<2x128x128xf32, #tpu.memory_space<vmem>>, %arg10: memref<10240x128xf32, #tpu.memory_space<vmem_shared>>, %arg11: memref<!tpu.dma_semaphore, #tpu.memory_space<semaphore_mem>>, %arg12: memref<!tpu.dma_semaphore, #tpu.memory_space<semaphore_mem>>, %arg13: memref<!tpu.dma_semaphore, #tpu.memory_space<semaphore_mem>>, %arg14: memref<!tpu.dma_semaphore, #tpu.memory_space<semaphore_mem>>) attributes {dimension_semantics = [#tpu.dimension_semantics<core_parallel>, #tpu.dimension_semantics<subcore_parallel>], iteration_bounds = array<i64: 2, 16>, scalar_prefetch = 0 : i64, scratch_operands = 8 : i64, tpu.core_type = #tpu.core_type<sc_vector_subcore>, window_params = [{transform_indices = #map}, {transform_indices = #map}, {transform_indices = #map}, {transform_indices = #map}, {transform_indices = #map}]} {
    %mul3A = arith.constant 16 : i32
    %mul3A_0 = arith.muli %arg0, %mul3A : i32
    %add3A = arith.addi %mul3A_0, %arg1 : i32
    %mul3A_1 = arith.constant 640 : i32
    %mul3A_2 = arith.muli %arg1, %mul3A_1 : i32
    "tpu.region"() ({
      %run_scoped3A = tpu.sem_alloc : memref<!tpu.dma_semaphore, #tpu.memory_space<semaphore_mem>>
      %dma_start3A = arith.constant 0 : i32
      %dma_start3A_13 = tpu.memref_slice %arg10[%mul3A_2, %dma_start3A] : memref<10240x128xf32, #tpu.memory_space<vmem_shared>> -> memref<640x128xf32, #tpu.memory_space<vmem_shared>>
      tpu.enqueue_dma source(%arg5 : memref<640x128xf32, #tpu.memory_space<hbm>>) target(%dma_start3A_13 : memref<640x128xf32, #tpu.memory_space<vmem_shared>>) target_semaphore(%run_scoped3A : memref<!tpu.dma_semaphore, #tpu.memory_space<semaphore_mem>>)
      %dma_wait3A = arith.constant 0 : i32
      %dma_wait3A_14 = tpu.memref_slice %arg10[%mul3A_2, %dma_wait3A] : memref<10240x128xf32, #tpu.memory_space<vmem_shared>> -> memref<640x128xf32, #tpu.memory_space<vmem_shared>>
      tpu.wait_dma2 semaphore(%run_scoped3A : memref<!tpu.dma_semaphore, #tpu.memory_space<semaphore_mem>>) src(%arg5 : memref<640x128xf32, #tpu.memory_space<hbm>>) dst(%dma_wait3A_14 : memref<640x128xf32, #tpu.memory_space<vmem_shared>>)
      tpu.yield
    }) : () -> ()
    %barrier3A = arith.constant 0 : index
    tpu.barrier barrier_id(%barrier3A)
    %scan3A = arith.constant 0 : i32
    %scan3A_3 = arith.constant 0 : i32
    %scan3A_4 = arith.constant 4 : i32
    %scan3A_5 = arith.addi %scan3A_3, %scan3A_4 : i32
    %scan3A_6 = arith.constant 1 : i32
    scf.for %scan3A_13 = %scan3A_3 to %scan3A_5 step %scan3A_6  : i32 {
      %mul3A_14 = arith.constant 160 : i32
      %mul3A_15 = arith.muli %add3A, %mul3A_14 : i32
      %mul3A_16 = arith.constant 40 : i32
      %mul3A_17 = arith.muli %scan3A_13, %mul3A_16 : i32
      %add3A_18 = arith.addi %mul3A_15, %mul3A_17 : i32
      "tpu.region"() ({
        %run_scoped3A = tpu.sem_alloc : memref<!tpu.dma_semaphore, #tpu.memory_space<semaphore_mem>>
        %dma_start3A_95 = arith.constant 0 : i32
        %dma_start3A_96 = tpu.memref_slice %arg3[%add3A_18, %dma_start3A_95] : memref<5120x128xi32, #tpu.memory_space<hbm>> -> memref<40x128xi32, #tpu.memory_space<hbm>>
        %dma_start3A_97 = arith.constant 0 : i32
        %dma_start3A_98 = tpu.memref_slice %arg3[%add3A_18, %dma_start3A_97] : memref<5120x128xi32, #tpu.memory_space<hbm>> -> memref<40x128xi32, #tpu.memory_space<hbm>>
        tpu.enqueue_dma source(%dma_start3A_98 : memref<40x128xi32, #tpu.memory_space<hbm>>) target(%arg7 : memref<40x128xi32, #tpu.memory_space<vmem>>) target_semaphore(%run_scoped3A : memref<!tpu.dma_semaphore, #tpu.memory_space<semaphore_mem>>)
        %dma_wait3A_99 = arith.constant 0 : i32
        %dma_wait3A_100 = tpu.memref_slice %arg3[%add3A_18, %dma_wait3A_99] : memref<5120x128xi32, #tpu.memory_space<hbm>> -> memref<40x128xi32, #tpu.memory_space<hbm>>
        %dma_wait3A_101 = arith.constant 0 : i32
        %dma_wait3A_102 = tpu.memref_slice %arg3[%add3A_18, %dma_wait3A_101] : memref<5120x128xi32, #tpu.memory_space<hbm>> -> memref<40x128xi32, #tpu.memory_space<hbm>>
        tpu.wait_dma2 semaphore(%run_scoped3A : memref<!tpu.dma_semaphore, #tpu.memory_space<semaphore_mem>>) src(%dma_wait3A_102 : memref<40x128xi32, #tpu.memory_space<hbm>>) dst(%arg7 : memref<40x128xi32, #tpu.memory_space<vmem>>)
        tpu.yield
      }) : () -> ()
      "tpu.region"() ({
        %run_scoped3A = tpu.sem_alloc : memref<!tpu.dma_semaphore, #tpu.memory_space<semaphore_mem>>
        %dma_start3A_95 = arith.constant 0 : i32
        %dma_start3A_96 = tpu.memref_slice %arg4[%add3A_18, %dma_start3A_95] : memref<5120x128xi32, #tpu.memory_space<hbm>> -> memref<40x128xi32, #tpu.memory_space<hbm>>
        %dma_start3A_97 = arith.constant 0 : i32
        %dma_start3A_98 = tpu.memref_slice %arg4[%add3A_18, %dma_start3A_97] : memref<5120x128xi32, #tpu.memory_space<hbm>> -> memref<40x128xi32, #tpu.memory_space<hbm>>
        tpu.enqueue_dma source(%dma_start3A_98 : memref<40x128xi32, #tpu.memory_space<hbm>>) target(%arg8 : memref<40x128xi32, #tpu.memory_space<vmem>>) target_semaphore(%run_scoped3A : memref<!tpu.dma_semaphore, #tpu.memory_space<semaphore_mem>>)
        %dma_wait3A_99 = arith.constant 0 : i32
        %dma_wait3A_100 = tpu.memref_slice %arg4[%add3A_18, %dma_wait3A_99] : memref<5120x128xi32, #tpu.memory_space<hbm>> -> memref<40x128xi32, #tpu.memory_space<hbm>>
        %dma_wait3A_101 = arith.constant 0 : i32
        %dma_wait3A_102 = tpu.memref_slice %arg4[%add3A_18, %dma_wait3A_101] : memref<5120x128xi32, #tpu.memory_space<hbm>> -> memref<40x128xi32, #tpu.memory_space<hbm>>
        tpu.wait_dma2 semaphore(%run_scoped3A : memref<!tpu.dma_semaphore, #tpu.memory_space<semaphore_mem>>) src(%dma_wait3A_102 : memref<40x128xi32, #tpu.memory_space<hbm>>) dst(%arg8 : memref<40x128xi32, #tpu.memory_space<vmem>>)
        tpu.yield
      }) : () -> ()
      %dma_start3A = arith.constant 0 : i32
      %dma_start3A_19 = arith.constant 0 : i32
      %dma_start3A_20 = arith.constant 0 : i32
      %dma_start3A_21 = arith.constant 0 : i32
      %dma_start3A_22 = tpu.memref_slice %arg9[%dma_start3A_19, %dma_start3A_20, %dma_start3A_21] : memref<2x128x128xf32, #tpu.memory_space<vmem>> -> memref<1x64x128xf32, #tpu.memory_space<vmem>>
      %dma_start3A_23 = tpu.memref_squeeze %dma_start3A_22 : memref<1x64x128xf32, #tpu.memory_space<vmem>> -> memref<64x128xf32, #tpu.memory_space<vmem>>
      %dma_start3A_24 = arith.constant 0 : i32
      %dma_start3A_25 = tpu.memref_slice %arg7[%dma_start3A, %dma_start3A_24] : memref<40x128xi32, #tpu.memory_space<vmem>> -> memref<1x64xi32, #tpu.memory_space<vmem>>
      %dma_start3A_26 = tpu.memref_squeeze %dma_start3A_25 : memref<1x64xi32, #tpu.memory_space<vmem>> -> memref<64xi32, #tpu.memory_space<vmem>>
      %dma_start3A_27 = arith.constant 0 : i32
      %dma_start3A_28 = arith.constant 0 : i32
      %dma_start3A_29 = tpu.memref_slice %arg2[%dma_start3A_27, %dma_start3A_28] : memref<20000x128xf32, #tpu.memory_space<hbm>> -> memref<20000x128xf32, #tpu.memory_space<hbm>>
      tpu.enqueue_indirect_dma source(%dma_start3A_29 : memref<20000x128xf32, #tpu.memory_space<hbm>>) target(%dma_start3A_23 : memref<64x128xf32, #tpu.memory_space<vmem>>) offsets(%dma_start3A_26 : memref<64xi32, #tpu.memory_space<vmem>>) semaphore(%arg11 : memref<!tpu.dma_semaphore, #tpu.memory_space<semaphore_mem>>)
      %dma_start3A_30 = arith.constant 0 : i32
      %dma_start3A_31 = arith.constant 0 : i32
      %dma_start3A_32 = arith.constant 64 : i32
      %dma_start3A_33 = arith.constant 0 : i32
      %dma_start3A_34 = tpu.memref_slice %arg9[%dma_start3A_31, %dma_start3A_32, %dma_start3A_33] : memref<2x128x128xf32, #tpu.memory_space<vmem>> -> memref<1x64x128xf32, #tpu.memory_space<vmem>>
      %dma_start3A_35 = tpu.memref_squeeze %dma_start3A_34 : memref<1x64x128xf32, #tpu.memory_space<vmem>> -> memref<64x128xf32, #tpu.memory_space<vmem>>
      %dma_start3A_36 = arith.constant 64 : i32
      %dma_start3A_37 = tpu.memref_slice %arg7[%dma_start3A_30, %dma_start3A_36] : memref<40x128xi32, #tpu.memory_space<vmem>> -> memref<1x64xi32, #tpu.memory_space<vmem>>
      %dma_start3A_38 = tpu.memref_squeeze %dma_start3A_37 : memref<1x64xi32, #tpu.memory_space<vmem>> -> memref<64xi32, #tpu.memory_space<vmem>>
      %dma_start3A_39 = arith.constant 0 : i32
      %dma_start3A_40 = arith.constant 0 : i32
      %dma_start3A_41 = tpu.memref_slice %arg2[%dma_start3A_39, %dma_start3A_40] : memref<20000x128xf32, #tpu.memory_space<hbm>> -> memref<20000x128xf32, #tpu.memory_space<hbm>>
      tpu.enqueue_indirect_dma source(%dma_start3A_41 : memref<20000x128xf32, #tpu.memory_space<hbm>>) target(%dma_start3A_35 : memref<64x128xf32, #tpu.memory_space<vmem>>) offsets(%dma_start3A_38 : memref<64xi32, #tpu.memory_space<vmem>>) semaphore(%arg11 : memref<!tpu.dma_semaphore, #tpu.memory_space<semaphore_mem>>)
      %dma_start3A_42 = arith.constant 1 : i32
      %dma_start3A_43 = arith.constant 1 : i32
      %dma_start3A_44 = arith.constant 0 : i32
      %dma_start3A_45 = arith.constant 0 : i32
      %dma_start3A_46 = tpu.memref_slice %arg9[%dma_start3A_43, %dma_start3A_44, %dma_start3A_45] : memref<2x128x128xf32, #tpu.memory_space<vmem>> -> memref<1x64x128xf32, #tpu.memory_space<vmem>>
      %dma_start3A_47 = tpu.memref_squeeze %dma_start3A_46 : memref<1x64x128xf32, #tpu.memory_space<vmem>> -> memref<64x128xf32, #tpu.memory_space<vmem>>
      %dma_start3A_48 = arith.constant 0 : i32
      %dma_start3A_49 = tpu.memref_slice %arg7[%dma_start3A_42, %dma_start3A_48] : memref<40x128xi32, #tpu.memory_space<vmem>> -> memref<1x64xi32, #tpu.memory_space<vmem>>
      %dma_start3A_50 = tpu.memref_squeeze %dma_start3A_49 : memref<1x64xi32, #tpu.memory_space<vmem>> -> memref<64xi32, #tpu.memory_space<vmem>>
      %dma_start3A_51 = arith.constant 0 : i32
      %dma_start3A_52 = arith.constant 0 : i32
      %dma_start3A_53 = tpu.memref_slice %arg2[%dma_start3A_51, %dma_start3A_52] : memref<20000x128xf32, #tpu.memory_space<hbm>> -> memref<20000x128xf32, #tpu.memory_space<hbm>>
      tpu.enqueue_indirect_dma source(%dma_start3A_53 : memref<20000x128xf32, #tpu.memory_space<hbm>>) target(%dma_start3A_47 : memref<64x128xf32, #tpu.memory_space<vmem>>) offsets(%dma_start3A_50 : memref<64xi32, #tpu.memory_space<vmem>>) semaphore(%arg12 : memref<!tpu.dma_semaphore, #tpu.memory_space<semaphore_mem>>)
      %dma_start3A_54 = arith.constant 1 : i32
      %dma_start3A_55 = arith.constant 1 : i32
      %dma_start3A_56 = arith.constant 64 : i32
      %dma_start3A_57 = arith.constant 0 : i32
      %dma_start3A_58 = tpu.memref_slice %arg9[%dma_start3A_55, %dma_start3A_56, %dma_start3A_57] : memref<2x128x128xf32, #tpu.memory_space<vmem>> -> memref<1x64x128xf32, #tpu.memory_space<vmem>>
      %dma_start3A_59 = tpu.memref_squeeze %dma_start3A_58 : memref<1x64x128xf32, #tpu.memory_space<vmem>> -> memref<64x128xf32, #tpu.memory_space<vmem>>
      %dma_start3A_60 = arith.constant 64 : i32
      %dma_start3A_61 = tpu.memref_slice %arg7[%dma_start3A_54, %dma_start3A_60] : memref<40x128xi32, #tpu.memory_space<vmem>> -> memref<1x64xi32, #tpu.memory_space<vmem>>
      %dma_start3A_62 = tpu.memref_squeeze %dma_start3A_61 : memref<1x64xi32, #tpu.memory_space<vmem>> -> memref<64xi32, #tpu.memory_space<vmem>>
      %dma_start3A_63 = arith.constant 0 : i32
      %dma_start3A_64 = arith.constant 0 : i32
      %dma_start3A_65 = tpu.memref_slice %arg2[%dma_start3A_63, %dma_start3A_64] : memref<20000x128xf32, #tpu.memory_space<hbm>> -> memref<20000x128xf32, #tpu.memory_space<hbm>>
      tpu.enqueue_indirect_dma source(%dma_start3A_65 : memref<20000x128xf32, #tpu.memory_space<hbm>>) target(%dma_start3A_59 : memref<64x128xf32, #tpu.memory_space<vmem>>) offsets(%dma_start3A_62 : memref<64xi32, #tpu.memory_space<vmem>>) semaphore(%arg12 : memref<!tpu.dma_semaphore, #tpu.memory_space<semaphore_mem>>)
      %scan3A_66 = arith.constant 0 : i32
      %scan3A_67 = arith.constant 0 : i32
      %scan3A_68 = arith.constant 20 : i32
      %scan3A_69 = arith.addi %scan3A_67, %scan3A_68 : i32
      %scan3A_70 = arith.constant 1 : i32
      scf.for %scan3A_95 = %scan3A_67 to %scan3A_69 step %scan3A_70  : i32 {
        %mul3A_96 = arith.constant 2 : i32
        %mul3A_97 = arith.muli %mul3A_96, %scan3A_95 : i32
        %add3A_98 = arith.constant 0 : i32
        %add3A_99 = arith.addi %mul3A_97, %add3A_98 : i32
        %dma_wait3A_100 = arith.constant 0 : i32
        %dma_wait3A_101 = arith.constant 0 : i32
        %dma_wait3A_102 = arith.constant 0 : i32
        %dma_wait3A_103 = tpu.memref_slice %arg9[%dma_wait3A_100, %dma_wait3A_101, %dma_wait3A_102] : memref<2x128x128xf32, #tpu.memory_space<vmem>> -> memref<1x64x128xf32, #tpu.memory_space<vmem>>
        %dma_wait3A_104 = tpu.memref_squeeze %dma_wait3A_103 : memref<1x64x128xf32, #tpu.memory_space<vmem>> -> memref<64x128xf32, #tpu.memory_space<vmem>>
        %dma_wait3A_105 = arith.constant 0 : i32
        %dma_wait3A_106 = tpu.memref_slice %arg7[%add3A_99, %dma_wait3A_105] : memref<40x128xi32, #tpu.memory_space<vmem>> -> memref<1x64xi32, #tpu.memory_space<vmem>>
        %dma_wait3A_107 = tpu.memref_squeeze %dma_wait3A_106 : memref<1x64xi32, #tpu.memory_space<vmem>> -> memref<64xi32, #tpu.memory_space<vmem>>
        %dma_wait3A_108 = arith.constant 0 : i32
        %dma_wait3A_109 = arith.constant 0 : i32
        %dma_wait3A_110 = tpu.memref_slice %arg2[%dma_wait3A_108, %dma_wait3A_109] : memref<20000x128xf32, #tpu.memory_space<hbm>> -> memref<20000x128xf32, #tpu.memory_space<hbm>>
        tpu.wait_indirect_dma semaphore(%arg11 : memref<!tpu.dma_semaphore, #tpu.memory_space<semaphore_mem>>) src(%dma_wait3A_110 : memref<20000x128xf32, #tpu.memory_space<hbm>>) dst(%dma_wait3A_104 : memref<64x128xf32, #tpu.memory_space<vmem>>)
        %dma_wait3A_111 = arith.constant 0 : i32
        %dma_wait3A_112 = arith.constant 64 : i32
        %dma_wait3A_113 = arith.constant 0 : i32
        %dma_wait3A_114 = tpu.memref_slice %arg9[%dma_wait3A_111, %dma_wait3A_112, %dma_wait3A_113] : memref<2x128x128xf32, #tpu.memory_space<vmem>> -> memref<1x64x128xf32, #tpu.memory_space<vmem>>
        %dma_wait3A_115 = tpu.memref_squeeze %dma_wait3A_114 : memref<1x64x128xf32, #tpu.memory_space<vmem>> -> memref<64x128xf32, #tpu.memory_space<vmem>>
        %dma_wait3A_116 = arith.constant 64 : i32
        %dma_wait3A_117 = tpu.memref_slice %arg7[%add3A_99, %dma_wait3A_116] : memref<40x128xi32, #tpu.memory_space<vmem>> -> memref<1x64xi32, #tpu.memory_space<vmem>>
        %dma_wait3A_118 = tpu.memref_squeeze %dma_wait3A_117 : memref<1x64xi32, #tpu.memory_space<vmem>> -> memref<64xi32, #tpu.memory_space<vmem>>
        %dma_wait3A_119 = arith.constant 0 : i32
        %dma_wait3A_120 = arith.constant 0 : i32
        %dma_wait3A_121 = tpu.memref_slice %arg2[%dma_wait3A_119, %dma_wait3A_120] : memref<20000x128xf32, #tpu.memory_space<hbm>> -> memref<20000x128xf32, #tpu.memory_space<hbm>>
        tpu.wait_indirect_dma semaphore(%arg11 : memref<!tpu.dma_semaphore, #tpu.memory_space<semaphore_mem>>) src(%dma_wait3A_121 : memref<20000x128xf32, #tpu.memory_space<hbm>>) dst(%dma_wait3A_115 : memref<64x128xf32, #tpu.memory_space<vmem>>)
        %dma_start3A_122 = arith.constant 0 : i32
        %dma_start3A_123 = arith.constant 0 : i32
        %dma_start3A_124 = arith.constant 0 : i32
        %dma_start3A_125 = tpu.memref_slice %arg9[%dma_start3A_122, %dma_start3A_123, %dma_start3A_124] : memref<2x128x128xf32, #tpu.memory_space<vmem>> -> memref<1x128x128xf32, #tpu.memory_space<vmem>>
        %dma_start3A_126 = tpu.memref_squeeze %dma_start3A_125 : memref<1x128x128xf32, #tpu.memory_space<vmem>> -> memref<128x128xf32, #tpu.memory_space<vmem>>
        %dma_start3A_127 = arith.constant 0 : i32
        %dma_start3A_128 = tpu.memref_slice %arg8[%add3A_99, %dma_start3A_127] : memref<40x128xi32, #tpu.memory_space<vmem>> -> memref<1x128xi32, #tpu.memory_space<vmem>>
        %dma_start3A_129 = tpu.memref_squeeze %dma_start3A_128 : memref<1x128xi32, #tpu.memory_space<vmem>> -> memref<128xi32, #tpu.memory_space<vmem>>
        %dma_start3A_130 = arith.constant 0 : i32
        %dma_start3A_131 = arith.constant 0 : i32
        %dma_start3A_132 = tpu.memref_slice %arg10[%dma_start3A_130, %dma_start3A_131] : memref<10240x128xf32, #tpu.memory_space<vmem_shared>> -> memref<10240x128xf32, #tpu.memory_space<vmem_shared>>
        tpu.enqueue_indirect_dma source(%dma_start3A_126 : memref<128x128xf32, #tpu.memory_space<vmem>>) target(%dma_start3A_132 : memref<10240x128xf32, #tpu.memory_space<vmem_shared>>) offsets(%dma_start3A_129 : memref<128xi32, #tpu.memory_space<vmem>>) semaphore(%arg13 : memref<!tpu.dma_semaphore, #tpu.memory_space<semaphore_mem>>) {add = true}
        %add3A_133 = arith.constant 2 : i32
        %add3A_134 = arith.addi %add3A_99, %add3A_133 : i32
        %lt3A = arith.constant 40 : i32
        %lt3A_135 = arith.cmpi slt, %add3A_134, %lt3A : i32
        %convert_element_type3A = arith.extui %lt3A_135 : i1 to i32
        %cond3A = arith.constant 0 : i32
        %cond3A_136 = arith.cmpi ne, %convert_element_type3A, %cond3A : i32
        scf.if %cond3A_136 {
          %dma_wait3A_181 = arith.constant 0 : i32
          %dma_wait3A_182 = arith.constant 0 : i32
          %dma_wait3A_183 = arith.constant 0 : i32
          %dma_wait3A_184 = tpu.memref_slice %arg9[%dma_wait3A_181, %dma_wait3A_182, %dma_wait3A_183] : memref<2x128x128xf32, #tpu.memory_space<vmem>> -> memref<1x128x128xf32, #tpu.memory_space<vmem>>
          %dma_wait3A_185 = tpu.memref_squeeze %dma_wait3A_184 : memref<1x128x128xf32, #tpu.memory_space<vmem>> -> memref<128x128xf32, #tpu.memory_space<vmem>>
          %dma_wait3A_186 = arith.constant 0 : i32
          %dma_wait3A_187 = tpu.memref_slice %arg8[%add3A_99, %dma_wait3A_186] : memref<40x128xi32, #tpu.memory_space<vmem>> -> memref<1x128xi32, #tpu.memory_space<vmem>>
          %dma_wait3A_188 = tpu.memref_squeeze %dma_wait3A_187 : memref<1x128xi32, #tpu.memory_space<vmem>> -> memref<128xi32, #tpu.memory_space<vmem>>
          %dma_wait3A_189 = arith.constant 0 : i32
          %dma_wait3A_190 = arith.constant 0 : i32
          %dma_wait3A_191 = tpu.memref_slice %arg10[%dma_wait3A_189, %dma_wait3A_190] : memref<10240x128xf32, #tpu.memory_space<vmem_shared>> -> memref<10240x128xf32, #tpu.memory_space<vmem_shared>>
          tpu.wait_indirect_dma semaphore(%arg13 : memref<!tpu.dma_semaphore, #tpu.memory_space<semaphore_mem>>) src(%dma_wait3A_185 : memref<128x128xf32, #tpu.memory_space<vmem>>) dst(%dma_wait3A_191 : memref<10240x128xf32, #tpu.memory_space<vmem_shared>>)
          %add3A_192 = arith.constant 2 : i32
          %add3A_193 = arith.addi %add3A_99, %add3A_192 : i32
          %dma_start3A_194 = arith.constant 0 : i32
          %dma_start3A_195 = arith.constant 0 : i32
          %dma_start3A_196 = arith.constant 0 : i32
          %dma_start3A_197 = tpu.memref_slice %arg9[%dma_start3A_194, %dma_start3A_195, %dma_start3A_196] : memref<2x128x128xf32, #tpu.memory_space<vmem>> -> memref<1x64x128xf32, #tpu.memory_space<vmem>>
          %dma_start3A_198 = tpu.memref_squeeze %dma_start3A_197 : memref<1x64x128xf32, #tpu.memory_space<vmem>> -> memref<64x128xf32, #tpu.memory_space<vmem>>
          %dma_start3A_199 = arith.constant 0 : i32
          %dma_start3A_200 = tpu.memref_slice %arg7[%add3A_193, %dma_start3A_199] : memref<40x128xi32, #tpu.memory_space<vmem>> -> memref<1x64xi32, #tpu.memory_space<vmem>>
          %dma_start3A_201 = tpu.memref_squeeze %dma_start3A_200 : memref<1x64xi32, #tpu.memory_space<vmem>> -> memref<64xi32, #tpu.memory_space<vmem>>
          %dma_start3A_202 = arith.constant 0 : i32
          %dma_start3A_203 = arith.constant 0 : i32
          %dma_start3A_204 = tpu.memref_slice %arg2[%dma_start3A_202, %dma_start3A_203] : memref<20000x128xf32, #tpu.memory_space<hbm>> -> memref<20000x128xf32, #tpu.memory_space<hbm>>
          tpu.enqueue_indirect_dma source(%dma_start3A_204 : memref<20000x128xf32, #tpu.memory_space<hbm>>) target(%dma_start3A_198 : memref<64x128xf32, #tpu.memory_space<vmem>>) offsets(%dma_start3A_201 : memref<64xi32, #tpu.memory_space<vmem>>) semaphore(%arg11 : memref<!tpu.dma_semaphore, #tpu.memory_space<semaphore_mem>>)
          %dma_start3A_205 = arith.constant 0 : i32
          %dma_start3A_206 = arith.constant 64 : i32
          %dma_start3A_207 = arith.constant 0 : i32
          %dma_start3A_208 = tpu.memref_slice %arg9[%dma_start3A_205, %dma_start3A_206, %dma_start3A_207] : memref<2x128x128xf32, #tpu.memory_space<vmem>> -> memref<1x64x128xf32, #tpu.memory_space<vmem>>
          %dma_start3A_209 = tpu.memref_squeeze %dma_start3A_208 : memref<1x64x128xf32, #tpu.memory_space<vmem>> -> memref<64x128xf32, #tpu.memory_space<vmem>>
          %dma_start3A_210 = arith.constant 64 : i32
          %dma_start3A_211 = tpu.memref_slice %arg7[%add3A_193, %dma_start3A_210] : memref<40x128xi32, #tpu.memory_space<vmem>> -> memref<1x64xi32, #tpu.memory_space<vmem>>
          %dma_start3A_212 = tpu.memref_squeeze %dma_start3A_211 : memref<1x64xi32, #tpu.memory_space<vmem>> -> memref<64xi32, #tpu.memory_space<vmem>>
          %dma_start3A_213 = arith.constant 0 : i32
          %dma_start3A_214 = arith.constant 0 : i32
          %dma_start3A_215 = tpu.memref_slice %arg2[%dma_start3A_213, %dma_start3A_214] : memref<20000x128xf32, #tpu.memory_space<hbm>> -> memref<20000x128xf32, #tpu.memory_space<hbm>>
          tpu.enqueue_indirect_dma source(%dma_start3A_215 : memref<20000x128xf32, #tpu.memory_space<hbm>>) target(%dma_start3A_209 : memref<64x128xf32, #tpu.memory_space<vmem>>) offsets(%dma_start3A_212 : memref<64xi32, #tpu.memory_space<vmem>>) semaphore(%arg11 : memref<!tpu.dma_semaphore, #tpu.memory_space<semaphore_mem>>)
        } else {
        }
        %mul3A_137 = arith.constant 2 : i32
        %mul3A_138 = arith.muli %mul3A_137, %scan3A_95 : i32
        %add3A_139 = arith.constant 1 : i32
        %add3A_140 = arith.addi %mul3A_138, %add3A_139 : i32
        %dma_wait3A_141 = arith.constant 1 : i32
        %dma_wait3A_142 = arith.constant 0 : i32
        %dma_wait3A_143 = arith.constant 0 : i32
        %dma_wait3A_144 = tpu.memref_slice %arg9[%dma_wait3A_141, %dma_wait3A_142, %dma_wait3A_143] : memref<2x128x128xf32, #tpu.memory_space<vmem>> -> memref<1x64x128xf32, #tpu.memory_space<vmem>>
        %dma_wait3A_145 = tpu.memref_squeeze %dma_wait3A_144 : memref<1x64x128xf32, #tpu.memory_space<vmem>> -> memref<64x128xf32, #tpu.memory_space<vmem>>
        %dma_wait3A_146 = arith.constant 0 : i32
        %dma_wait3A_147 = tpu.memref_slice %arg7[%add3A_140, %dma_wait3A_146] : memref<40x128xi32, #tpu.memory_space<vmem>> -> memref<1x64xi32, #tpu.memory_space<vmem>>
        %dma_wait3A_148 = tpu.memref_squeeze %dma_wait3A_147 : memref<1x64xi32, #tpu.memory_space<vmem>> -> memref<64xi32, #tpu.memory_space<vmem>>
        %dma_wait3A_149 = arith.constant 0 : i32
        %dma_wait3A_150 = arith.constant 0 : i32
        %dma_wait3A_151 = tpu.memref_slice %arg2[%dma_wait3A_149, %dma_wait3A_150] : memref<20000x128xf32, #tpu.memory_space<hbm>> -> memref<20000x128xf32, #tpu.memory_space<hbm>>
        tpu.wait_indirect_dma semaphore(%arg12 : memref<!tpu.dma_semaphore, #tpu.memory_space<semaphore_mem>>) src(%dma_wait3A_151 : memref<20000x128xf32, #tpu.memory_space<hbm>>) dst(%dma_wait3A_145 : memref<64x128xf32, #tpu.memory_space<vmem>>)
        %dma_wait3A_152 = arith.constant 1 : i32
        %dma_wait3A_153 = arith.constant 64 : i32
        %dma_wait3A_154 = arith.constant 0 : i32
        %dma_wait3A_155 = tpu.memref_slice %arg9[%dma_wait3A_152, %dma_wait3A_153, %dma_wait3A_154] : memref<2x128x128xf32, #tpu.memory_space<vmem>> -> memref<1x64x128xf32, #tpu.memory_space<vmem>>
        %dma_wait3A_156 = tpu.memref_squeeze %dma_wait3A_155 : memref<1x64x128xf32, #tpu.memory_space<vmem>> -> memref<64x128xf32, #tpu.memory_space<vmem>>
        %dma_wait3A_157 = arith.constant 64 : i32
        %dma_wait3A_158 = tpu.memref_slice %arg7[%add3A_140, %dma_wait3A_157] : memref<40x128xi32, #tpu.memory_space<vmem>> -> memref<1x64xi32, #tpu.memory_space<vmem>>
        %dma_wait3A_159 = tpu.memref_squeeze %dma_wait3A_158 : memref<1x64xi32, #tpu.memory_space<vmem>> -> memref<64xi32, #tpu.memory_space<vmem>>
        %dma_wait3A_160 = arith.constant 0 : i32
        %dma_wait3A_161 = arith.constant 0 : i32
        %dma_wait3A_162 = tpu.memref_slice %arg2[%dma_wait3A_160, %dma_wait3A_161] : memref<20000x128xf32, #tpu.memory_space<hbm>> -> memref<20000x128xf32, #tpu.memory_space<hbm>>
        tpu.wait_indirect_dma semaphore(%arg12 : memref<!tpu.dma_semaphore, #tpu.memory_space<semaphore_mem>>) src(%dma_wait3A_162 : memref<20000x128xf32, #tpu.memory_space<hbm>>) dst(%dma_wait3A_156 : memref<64x128xf32, #tpu.memory_space<vmem>>)
        %dma_start3A_163 = arith.constant 1 : i32
        %dma_start3A_164 = arith.constant 0 : i32
        %dma_start3A_165 = arith.constant 0 : i32
        %dma_start3A_166 = tpu.memref_slice %arg9[%dma_start3A_163, %dma_start3A_164, %dma_start3A_165] : memref<2x128x128xf32, #tpu.memory_space<vmem>> -> memref<1x128x128xf32, #tpu.memory_space<vmem>>
        %dma_start3A_167 = tpu.memref_squeeze %dma_start3A_166 : memref<1x128x128xf32, #tpu.memory_space<vmem>> -> memref<128x128xf32, #tpu.memory_space<vmem>>
        %dma_start3A_168 = arith.constant 0 : i32
        %dma_start3A_169 = tpu.memref_slice %arg8[%add3A_140, %dma_start3A_168] : memref<40x128xi32, #tpu.memory_space<vmem>> -> memref<1x128xi32, #tpu.memory_space<vmem>>
        %dma_start3A_170 = tpu.memref_squeeze %dma_start3A_169 : memref<1x128xi32, #tpu.memory_space<vmem>> -> memref<128xi32, #tpu.memory_space<vmem>>
        %dma_start3A_171 = arith.constant 0 : i32
        %dma_start3A_172 = arith.constant 0 : i32
        %dma_start3A_173 = tpu.memref_slice %arg10[%dma_start3A_171, %dma_start3A_172] : memref<10240x128xf32, #tpu.memory_space<vmem_shared>> -> memref<10240x128xf32, #tpu.memory_space<vmem_shared>>
        tpu.enqueue_indirect_dma source(%dma_start3A_167 : memref<128x128xf32, #tpu.memory_space<vmem>>) target(%dma_start3A_173 : memref<10240x128xf32, #tpu.memory_space<vmem_shared>>) offsets(%dma_start3A_170 : memref<128xi32, #tpu.memory_space<vmem>>) semaphore(%arg14 : memref<!tpu.dma_semaphore, #tpu.memory_space<semaphore_mem>>) {add = true}
        %add3A_174 = arith.constant 2 : i32
        %add3A_175 = arith.addi %add3A_140, %add3A_174 : i32
        %lt3A_176 = arith.constant 40 : i32
        %lt3A_177 = arith.cmpi slt, %add3A_175, %lt3A_176 : i32
        %convert_element_type3A_178 = arith.extui %lt3A_177 : i1 to i32
        %cond3A_179 = arith.constant 0 : i32
        %cond3A_180 = arith.cmpi ne, %convert_element_type3A_178, %cond3A_179 : i32
        scf.if %cond3A_180 {
          %dma_wait3A_181 = arith.constant 1 : i32
          %dma_wait3A_182 = arith.constant 0 : i32
          %dma_wait3A_183 = arith.constant 0 : i32
          %dma_wait3A_184 = tpu.memref_slice %arg9[%dma_wait3A_181, %dma_wait3A_182, %dma_wait3A_183] : memref<2x128x128xf32, #tpu.memory_space<vmem>> -> memref<1x128x128xf32, #tpu.memory_space<vmem>>
          %dma_wait3A_185 = tpu.memref_squeeze %dma_wait3A_184 : memref<1x128x128xf32, #tpu.memory_space<vmem>> -> memref<128x128xf32, #tpu.memory_space<vmem>>
          %dma_wait3A_186 = arith.constant 0 : i32
          %dma_wait3A_187 = tpu.memref_slice %arg8[%add3A_140, %dma_wait3A_186] : memref<40x128xi32, #tpu.memory_space<vmem>> -> memref<1x128xi32, #tpu.memory_space<vmem>>
          %dma_wait3A_188 = tpu.memref_squeeze %dma_wait3A_187 : memref<1x128xi32, #tpu.memory_space<vmem>> -> memref<128xi32, #tpu.memory_space<vmem>>
          %dma_wait3A_189 = arith.constant 0 : i32
          %dma_wait3A_190 = arith.constant 0 : i32
          %dma_wait3A_191 = tpu.memref_slice %arg10[%dma_wait3A_189, %dma_wait3A_190] : memref<10240x128xf32, #tpu.memory_space<vmem_shared>> -> memref<10240x128xf32, #tpu.memory_space<vmem_shared>>
          tpu.wait_indirect_dma semaphore(%arg14 : memref<!tpu.dma_semaphore, #tpu.memory_space<semaphore_mem>>) src(%dma_wait3A_185 : memref<128x128xf32, #tpu.memory_space<vmem>>) dst(%dma_wait3A_191 : memref<10240x128xf32, #tpu.memory_space<vmem_shared>>)
          %add3A_192 = arith.constant 2 : i32
          %add3A_193 = arith.addi %add3A_140, %add3A_192 : i32
          %dma_start3A_194 = arith.constant 1 : i32
          %dma_start3A_195 = arith.constant 0 : i32
          %dma_start3A_196 = arith.constant 0 : i32
          %dma_start3A_197 = tpu.memref_slice %arg9[%dma_start3A_194, %dma_start3A_195, %dma_start3A_196] : memref<2x128x128xf32, #tpu.memory_space<vmem>> -> memref<1x64x128xf32, #tpu.memory_space<vmem>>
          %dma_start3A_198 = tpu.memref_squeeze %dma_start3A_197 : memref<1x64x128xf32, #tpu.memory_space<vmem>> -> memref<64x128xf32, #tpu.memory_space<vmem>>
          %dma_start3A_199 = arith.constant 0 : i32
          %dma_start3A_200 = tpu.memref_slice %arg7[%add3A_193, %dma_start3A_199] : memref<40x128xi32, #tpu.memory_space<vmem>> -> memref<1x64xi32, #tpu.memory_space<vmem>>
          %dma_start3A_201 = tpu.memref_squeeze %dma_start3A_200 : memref<1x64xi32, #tpu.memory_space<vmem>> -> memref<64xi32, #tpu.memory_space<vmem>>
          %dma_start3A_202 = arith.constant 0 : i32
          %dma_start3A_203 = arith.constant 0 : i32
          %dma_start3A_204 = tpu.memref_slice %arg2[%dma_start3A_202, %dma_start3A_203] : memref<20000x128xf32, #tpu.memory_space<hbm>> -> memref<20000x128xf32, #tpu.memory_space<hbm>>
          tpu.enqueue_indirect_dma source(%dma_start3A_204 : memref<20000x128xf32, #tpu.memory_space<hbm>>) target(%dma_start3A_198 : memref<64x128xf32, #tpu.memory_space<vmem>>) offsets(%dma_start3A_201 : memref<64xi32, #tpu.memory_space<vmem>>) semaphore(%arg12 : memref<!tpu.dma_semaphore, #tpu.memory_space<semaphore_mem>>)
          %dma_start3A_205 = arith.constant 1 : i32
          %dma_start3A_206 = arith.constant 64 : i32
          %dma_start3A_207 = arith.constant 0 : i32
          %dma_start3A_208 = tpu.memref_slice %arg9[%dma_start3A_205, %dma_start3A_206, %dma_start3A_207] : memref<2x128x128xf32, #tpu.memory_space<vmem>> -> memref<1x64x128xf32, #tpu.memory_space<vmem>>
          %dma_start3A_209 = tpu.memref_squeeze %dma_start3A_208 : memref<1x64x128xf32, #tpu.memory_space<vmem>> -> memref<64x128xf32, #tpu.memory_space<vmem>>
          %dma_start3A_210 = arith.constant 64 : i32
          %dma_start3A_211 = tpu.memref_slice %arg7[%add3A_193, %dma_start3A_210] : memref<40x128xi32, #tpu.memory_space<vmem>> -> memref<1x64xi32, #tpu.memory_space<vmem>>
          %dma_start3A_212 = tpu.memref_squeeze %dma_start3A_211 : memref<1x64xi32, #tpu.memory_space<vmem>> -> memref<64xi32, #tpu.memory_space<vmem>>
          %dma_start3A_213 = arith.constant 0 : i32
          %dma_start3A_214 = arith.constant 0 : i32
          %dma_start3A_215 = tpu.memref_slice %arg2[%dma_start3A_213, %dma_start3A_214] : memref<20000x128xf32, #tpu.memory_space<hbm>> -> memref<20000x128xf32, #tpu.memory_space<hbm>>
          tpu.enqueue_indirect_dma source(%dma_start3A_215 : memref<20000x128xf32, #tpu.memory_space<hbm>>) target(%dma_start3A_209 : memref<64x128xf32, #tpu.memory_space<vmem>>) offsets(%dma_start3A_212 : memref<64xi32, #tpu.memory_space<vmem>>) semaphore(%arg12 : memref<!tpu.dma_semaphore, #tpu.memory_space<semaphore_mem>>)
        } else {
        }
      }
      %scan3A_71 = arith.constant 20 : i32
      %dma_wait3A = arith.constant 0 : i32
      %dma_wait3A_72 = arith.constant 38 : i32
      %dma_wait3A_73 = arith.constant 0 : i32
      %dma_wait3A_74 = arith.constant 0 : i32
      %dma_wait3A_75 = tpu.memref_slice %arg9[%dma_wait3A, %dma_wait3A_73, %dma_wait3A_74] : memref<2x128x128xf32, #tpu.memory_space<vmem>> -> memref<1x128x128xf32, #tpu.memory_space<vmem>>
      %dma_wait3A_76 = tpu.memref_squeeze %dma_wait3A_75 : memref<1x128x128xf32, #tpu.memory_space<vmem>> -> memref<128x128xf32, #tpu.memory_space<vmem>>
      %dma_wait3A_77 = arith.constant 0 : i32
      %dma_wait3A_78 = tpu.memref_slice %arg8[%dma_wait3A_72, %dma_wait3A_77] : memref<40x128xi32, #tpu.memory_space<vmem>> -> memref<1x128xi32, #tpu.memory_space<vmem>>
      %dma_wait3A_79 = tpu.memref_squeeze %dma_wait3A_78 : memref<1x128xi32, #tpu.memory_space<vmem>> -> memref<128xi32, #tpu.memory_space<vmem>>
      %dma_wait3A_80 = arith.constant 0 : i32
      %dma_wait3A_81 = arith.constant 0 : i32
      %dma_wait3A_82 = tpu.memref_slice %arg10[%dma_wait3A_80, %dma_wait3A_81] : memref<10240x128xf32, #tpu.memory_space<vmem_shared>> -> memref<10240x128xf32, #tpu.memory_space<vmem_shared>>
      tpu.wait_indirect_dma semaphore(%arg13 : memref<!tpu.dma_semaphore, #tpu.memory_space<semaphore_mem>>) src(%dma_wait3A_76 : memref<128x128xf32, #tpu.memory_space<vmem>>) dst(%dma_wait3A_82 : memref<10240x128xf32, #tpu.memory_space<vmem_shared>>)
      %dma_wait3A_83 = arith.constant 1 : i32
      %dma_wait3A_84 = arith.constant 39 : i32
      %dma_wait3A_85 = arith.constant 0 : i32
      %dma_wait3A_86 = arith.constant 0 : i32
      %dma_wait3A_87 = tpu.memref_slice %arg9[%dma_wait3A_83, %dma_wait3A_85, %dma_wait3A_86] : memref<2x128x128xf32, #tpu.memory_space<vmem>> -> memref<1x128x128xf32, #tpu.memory_space<vmem>>
      %dma_wait3A_88 = tpu.memref_squeeze %dma_wait3A_87 : memref<1x128x128xf32, #tpu.memory_space<vmem>> -> memref<128x128xf32, #tpu.memory_space<vmem>>
      %dma_wait3A_89 = arith.constant 0 : i32
      %dma_wait3A_90 = tpu.memref_slice %arg8[%dma_wait3A_84, %dma_wait3A_89] : memref<40x128xi32, #tpu.memory_space<vmem>> -> memref<1x128xi32, #tpu.memory_space<vmem>>
      %dma_wait3A_91 = tpu.memref_squeeze %dma_wait3A_90 : memref<1x128xi32, #tpu.memory_space<vmem>> -> memref<128xi32, #tpu.memory_space<vmem>>
      %dma_wait3A_92 = arith.constant 0 : i32
      %dma_wait3A_93 = arith.constant 0 : i32
      %dma_wait3A_94 = tpu.memref_slice %arg10[%dma_wait3A_92, %dma_wait3A_93] : memref<10240x128xf32, #tpu.memory_space<vmem_shared>> -> memref<10240x128xf32, #tpu.memory_space<vmem_shared>>
      tpu.wait_indirect_dma semaphore(%arg14 : memref<!tpu.dma_semaphore, #tpu.memory_space<semaphore_mem>>) src(%dma_wait3A_88 : memref<128x128xf32, #tpu.memory_space<vmem>>) dst(%dma_wait3A_94 : memref<10240x128xf32, #tpu.memory_space<vmem_shared>>)
    }
    %scan3A_7 = arith.constant 4 : i32
    %barrier3A_8 = arith.constant 0 : index
    tpu.barrier barrier_id(%barrier3A_8)
    %mul3A_9 = arith.constant 640 : i32
    %mul3A_10 = arith.muli %arg1, %mul3A_9 : i32
    %mul3A_11 = arith.constant 640 : i32
    %mul3A_12 = arith.muli %add3A, %mul3A_11 : i32
    "tpu.region"() ({
      %run_scoped3A = tpu.sem_alloc : memref<!tpu.dma_semaphore, #tpu.memory_space<semaphore_mem>>
      %dma_start3A = arith.constant 0 : i32
      %dma_start3A_13 = tpu.memref_slice %arg6[%mul3A_12, %dma_start3A] : memref<20480x128xf32, #tpu.memory_space<hbm>> -> memref<640x128xf32, #tpu.memory_space<hbm>>
      %dma_start3A_14 = arith.constant 0 : i32
      %dma_start3A_15 = tpu.memref_slice %arg10[%mul3A_10, %dma_start3A_14] : memref<10240x128xf32, #tpu.memory_space<vmem_shared>> -> memref<640x128xf32, #tpu.memory_space<vmem_shared>>
      tpu.enqueue_dma source(%dma_start3A_15 : memref<640x128xf32, #tpu.memory_space<vmem_shared>>) target(%dma_start3A_13 : memref<640x128xf32, #tpu.memory_space<hbm>>) target_semaphore(%run_scoped3A : memref<!tpu.dma_semaphore, #tpu.memory_space<semaphore_mem>>)
      %dma_wait3A = arith.constant 0 : i32
      %dma_wait3A_16 = tpu.memref_slice %arg6[%mul3A_12, %dma_wait3A] : memref<20480x128xf32, #tpu.memory_space<hbm>> -> memref<640x128xf32, #tpu.memory_space<hbm>>
      %dma_wait3A_17 = arith.constant 0 : i32
      %dma_wait3A_18 = tpu.memref_slice %arg10[%mul3A_10, %dma_wait3A_17] : memref<10240x128xf32, #tpu.memory_space<vmem_shared>> -> memref<640x128xf32, #tpu.memory_space<vmem_shared>>
      tpu.wait_dma2 semaphore(%run_scoped3A : memref<!tpu.dma_semaphore, #tpu.memory_space<semaphore_mem>>) src(%dma_wait3A_18 : memref<640x128xf32, #tpu.memory_space<vmem_shared>>) dst(%dma_wait3A_16 : memref<640x128xf32, #tpu.memory_space<hbm>>)
      tpu.yield
    }) : () -> ()
    return
  }
}

#map = affine_map<(d0, d1) -> (0, 0)>
module attributes {stable_mosaic.version = 14 : i64} {
  func.func @_sc_scatter(%arg0: i32, %arg1: i32, %arg2: memref<20000x128xf32, #tpu.memory_space<hbm>>, %arg3: memref<5120x128xi32, #tpu.memory_space<hbm>>, %arg4: memref<5120x128xi32, #tpu.memory_space<hbm>>, %arg5: memref<640x128xf32, #tpu.memory_space<hbm>>, %arg6: memref<20480x128xf32, #tpu.memory_space<hbm>>, %arg7: memref<40x128xi32, #tpu.memory_space<vmem>>, %arg8: memref<40x128xi32, #tpu.memory_space<vmem>>, %arg9: memref<2x128x128xf32, #tpu.memory_space<vmem>>, %arg10: memref<10240x128xf32, #tpu.memory_space<vmem_shared>>, %arg11: memref<!tpu.dma_semaphore, #tpu.memory_space<semaphore_mem>>, %arg12: memref<!tpu.dma_semaphore, #tpu.memory_space<semaphore_mem>>, %arg13: memref<!tpu.dma_semaphore, #tpu.memory_space<semaphore_mem>>, %arg14: memref<!tpu.dma_semaphore, #tpu.memory_space<semaphore_mem>>) attributes {dimension_semantics = [#tpu.dimension_semantics<core_parallel>, #tpu.dimension_semantics<subcore_parallel>], iteration_bounds = array<i64: 2, 16>, scalar_prefetch = 0 : i64, scratch_operands = 8 : i64, tpu.core_type = #tpu.core_type<sc_vector_subcore>, window_params = [{transform_indices = #map}, {transform_indices = #map}, {transform_indices = #map}, {transform_indices = #map}, {transform_indices = #map}]} {
    %mul3A = arith.constant 16 : i32
    %mul3A_0 = arith.muli %arg0, %mul3A : i32
    %add3A = arith.addi %mul3A_0, %arg1 : i32
    %mul3A_1 = arith.constant 640 : i32
    %mul3A_2 = arith.muli %arg1, %mul3A_1 : i32
    "tpu.region"() ({
      %run_scoped3A = tpu.sem_alloc : memref<!tpu.dma_semaphore, #tpu.memory_space<semaphore_mem>>
      %dma_start3A = arith.constant 0 : i32
      %dma_start3A_13 = tpu.memref_slice %arg10[%mul3A_2, %dma_start3A] : memref<10240x128xf32, #tpu.memory_space<vmem_shared>> -> memref<640x128xf32, #tpu.memory_space<vmem_shared>>
      tpu.enqueue_dma source(%arg5 : memref<640x128xf32, #tpu.memory_space<hbm>>) target(%dma_start3A_13 : memref<640x128xf32, #tpu.memory_space<vmem_shared>>) target_semaphore(%run_scoped3A : memref<!tpu.dma_semaphore, #tpu.memory_space<semaphore_mem>>)
      %dma_wait3A = arith.constant 0 : i32
      %dma_wait3A_14 = tpu.memref_slice %arg10[%mul3A_2, %dma_wait3A] : memref<10240x128xf32, #tpu.memory_space<vmem_shared>> -> memref<640x128xf32, #tpu.memory_space<vmem_shared>>
      tpu.wait_dma2 semaphore(%run_scoped3A : memref<!tpu.dma_semaphore, #tpu.memory_space<semaphore_mem>>) src(%arg5 : memref<640x128xf32, #tpu.memory_space<hbm>>) dst(%dma_wait3A_14 : memref<640x128xf32, #tpu.memory_space<vmem_shared>>)
      tpu.yield
    }) : () -> ()
    %barrier3A = arith.constant 0 : index
    tpu.barrier barrier_id(%barrier3A)
    %scan3A = arith.constant 0 : i32
    %scan3A_3 = arith.constant 0 : i32
    %scan3A_4 = arith.constant 4 : i32
    %scan3A_5 = arith.addi %scan3A_3, %scan3A_4 : i32
    %scan3A_6 = arith.constant 1 : i32
    scf.for %scan3A_13 = %scan3A_3 to %scan3A_5 step %scan3A_6  : i32 {
      %mul3A_14 = arith.constant 160 : i32
      %mul3A_15 = arith.muli %add3A, %mul3A_14 : i32
      %mul3A_16 = arith.constant 40 : i32
      %mul3A_17 = arith.muli %scan3A_13, %mul3A_16 : i32
      %add3A_18 = arith.addi %mul3A_15, %mul3A_17 : i32
      "tpu.region"() ({
        %run_scoped3A = tpu.sem_alloc : memref<!tpu.dma_semaphore, #tpu.memory_space<semaphore_mem>>
        %dma_start3A_95 = arith.constant 0 : i32
        %dma_start3A_96 = tpu.memref_slice %arg3[%add3A_18, %dma_start3A_95] : memref<5120x128xi32, #tpu.memory_space<hbm>> -> memref<40x128xi32, #tpu.memory_space<hbm>>
        %dma_start3A_97 = arith.constant 0 : i32
        %dma_start3A_98 = tpu.memref_slice %arg3[%add3A_18, %dma_start3A_97] : memref<5120x128xi32, #tpu.memory_space<hbm>> -> memref<40x128xi32, #tpu.memory_space<hbm>>
        tpu.enqueue_dma source(%dma_start3A_98 : memref<40x128xi32, #tpu.memory_space<hbm>>) target(%arg7 : memref<40x128xi32, #tpu.memory_space<vmem>>) target_semaphore(%run_scoped3A : memref<!tpu.dma_semaphore, #tpu.memory_space<semaphore_mem>>)
        %dma_wait3A_99 = arith.constant 0 : i32
        %dma_wait3A_100 = tpu.memref_slice %arg3[%add3A_18, %dma_wait3A_99] : memref<5120x128xi32, #tpu.memory_space<hbm>> -> memref<40x128xi32, #tpu.memory_space<hbm>>
        %dma_wait3A_101 = arith.constant 0 : i32
        %dma_wait3A_102 = tpu.memref_slice %arg3[%add3A_18, %dma_wait3A_101] : memref<5120x128xi32, #tpu.memory_space<hbm>> -> memref<40x128xi32, #tpu.memory_space<hbm>>
        tpu.wait_dma2 semaphore(%run_scoped3A : memref<!tpu.dma_semaphore, #tpu.memory_space<semaphore_mem>>) src(%dma_wait3A_102 : memref<40x128xi32, #tpu.memory_space<hbm>>) dst(%arg7 : memref<40x128xi32, #tpu.memory_space<vmem>>)
        tpu.yield
      }) : () -> ()
      "tpu.region"() ({
        %run_scoped3A = tpu.sem_alloc : memref<!tpu.dma_semaphore, #tpu.memory_space<semaphore_mem>>
        %dma_start3A_95 = arith.constant 0 : i32
        %dma_start3A_96 = tpu.memref_slice %arg4[%add3A_18, %dma_start3A_95] : memref<5120x128xi32, #tpu.memory_space<hbm>> -> memref<40x128xi32, #tpu.memory_space<hbm>>
        %dma_start3A_97 = arith.constant 0 : i32
        %dma_start3A_98 = tpu.memref_slice %arg4[%add3A_18, %dma_start3A_97] : memref<5120x128xi32, #tpu.memory_space<hbm>> -> memref<40x128xi32, #tpu.memory_space<hbm>>
        tpu.enqueue_dma source(%dma_start3A_98 : memref<40x128xi32, #tpu.memory_space<hbm>>) target(%arg8 : memref<40x128xi32, #tpu.memory_space<vmem>>) target_semaphore(%run_scoped3A : memref<!tpu.dma_semaphore, #tpu.memory_space<semaphore_mem>>)
        %dma_wait3A_99 = arith.constant 0 : i32
        %dma_wait3A_100 = tpu.memref_slice %arg4[%add3A_18, %dma_wait3A_99] : memref<5120x128xi32, #tpu.memory_space<hbm>> -> memref<40x128xi32, #tpu.memory_space<hbm>>
        %dma_wait3A_101 = arith.constant 0 : i32
        %dma_wait3A_102 = tpu.memref_slice %arg4[%add3A_18, %dma_wait3A_101] : memref<5120x128xi32, #tpu.memory_space<hbm>> -> memref<40x128xi32, #tpu.memory_space<hbm>>
        tpu.wait_dma2 semaphore(%run_scoped3A : memref<!tpu.dma_semaphore, #tpu.memory_space<semaphore_mem>>) src(%dma_wait3A_102 : memref<40x128xi32, #tpu.memory_space<hbm>>) dst(%arg8 : memref<40x128xi32, #tpu.memory_space<vmem>>)
        tpu.yield
      }) : () -> ()
      %dma_start3A = arith.constant 0 : i32
      %dma_start3A_19 = arith.constant 0 : i32
      %dma_start3A_20 = arith.constant 0 : i32
      %dma_start3A_21 = arith.constant 0 : i32
      %dma_start3A_22 = tpu.memref_slice %arg9[%dma_start3A_19, %dma_start3A_20, %dma_start3A_21] : memref<2x128x128xf32, #tpu.memory_space<vmem>> -> memref<1x64x128xf32, #tpu.memory_space<vmem>>
      %dma_start3A_23 = tpu.memref_squeeze %dma_start3A_22 : memref<1x64x128xf32, #tpu.memory_space<vmem>> -> memref<64x128xf32, #tpu.memory_space<vmem>>
      %dma_start3A_24 = arith.constant 0 : i32
      %dma_start3A_25 = tpu.memref_slice %arg7[%dma_start3A, %dma_start3A_24] : memref<40x128xi32, #tpu.memory_space<vmem>> -> memref<1x64xi32, #tpu.memory_space<vmem>>
      %dma_start3A_26 = tpu.memref_squeeze %dma_start3A_25 : memref<1x64xi32, #tpu.memory_space<vmem>> -> memref<64xi32, #tpu.memory_space<vmem>>
      %dma_start3A_27 = arith.constant 0 : i32
      %dma_start3A_28 = arith.constant 0 : i32
      %dma_start3A_29 = tpu.memref_slice %arg2[%dma_start3A_27, %dma_start3A_28] : memref<20000x128xf32, #tpu.memory_space<hbm>> -> memref<20000x128xf32, #tpu.memory_space<hbm>>
      tpu.enqueue_indirect_dma source(%dma_start3A_29 : memref<20000x128xf32, #tpu.memory_space<hbm>>) target(%dma_start3A_23 : memref<64x128xf32, #tpu.memory_space<vmem>>) offsets(%dma_start3A_26 : memref<64xi32, #tpu.memory_space<vmem>>) semaphore(%arg11 : memref<!tpu.dma_semaphore, #tpu.memory_space<semaphore_mem>>)
      %dma_start3A_30 = arith.constant 0 : i32
      %dma_start3A_31 = arith.constant 0 : i32
      %dma_start3A_32 = arith.constant 64 : i32
      %dma_start3A_33 = arith.constant 0 : i32
      %dma_start3A_34 = tpu.memref_slice %arg9[%dma_start3A_31, %dma_start3A_32, %dma_start3A_33] : memref<2x128x128xf32, #tpu.memory_space<vmem>> -> memref<1x64x128xf32, #tpu.memory_space<vmem>>
      %dma_start3A_35 = tpu.memref_squeeze %dma_start3A_34 : memref<1x64x128xf32, #tpu.memory_space<vmem>> -> memref<64x128xf32, #tpu.memory_space<vmem>>
      %dma_start3A_36 = arith.constant 64 : i32
      %dma_start3A_37 = tpu.memref_slice %arg7[%dma_start3A_30, %dma_start3A_36] : memref<40x128xi32, #tpu.memory_space<vmem>> -> memref<1x64xi32, #tpu.memory_space<vmem>>
      %dma_start3A_38 = tpu.memref_squeeze %dma_start3A_37 : memref<1x64xi32, #tpu.memory_space<vmem>> -> memref<64xi32, #tpu.memory_space<vmem>>
      %dma_start3A_39 = arith.constant 0 : i32
      %dma_start3A_40 = arith.constant 0 : i32
      %dma_start3A_41 = tpu.memref_slice %arg2[%dma_start3A_39, %dma_start3A_40] : memref<20000x128xf32, #tpu.memory_space<hbm>> -> memref<20000x128xf32, #tpu.memory_space<hbm>>
      tpu.enqueue_indirect_dma source(%dma_start3A_41 : memref<20000x128xf32, #tpu.memory_space<hbm>>) target(%dma_start3A_35 : memref<64x128xf32, #tpu.memory_space<vmem>>) offsets(%dma_start3A_38 : memref<64xi32, #tpu.memory_space<vmem>>) semaphore(%arg11 : memref<!tpu.dma_semaphore, #tpu.memory_space<semaphore_mem>>)
      %dma_start3A_42 = arith.constant 1 : i32
      %dma_start3A_43 = arith.constant 1 : i32
      %dma_start3A_44 = arith.constant 0 : i32
      %dma_start3A_45 = arith.constant 0 : i32
      %dma_start3A_46 = tpu.memref_slice %arg9[%dma_start3A_43, %dma_start3A_44, %dma_start3A_45] : memref<2x128x128xf32, #tpu.memory_space<vmem>> -> memref<1x64x128xf32, #tpu.memory_space<vmem>>
      %dma_start3A_47 = tpu.memref_squeeze %dma_start3A_46 : memref<1x64x128xf32, #tpu.memory_space<vmem>> -> memref<64x128xf32, #tpu.memory_space<vmem>>
      %dma_start3A_48 = arith.constant 0 : i32
      %dma_start3A_49 = tpu.memref_slice %arg7[%dma_start3A_42, %dma_start3A_48] : memref<40x128xi32, #tpu.memory_space<vmem>> -> memref<1x64xi32, #tpu.memory_space<vmem>>
      %dma_start3A_50 = tpu.memref_squeeze %dma_start3A_49 : memref<1x64xi32, #tpu.memory_space<vmem>> -> memref<64xi32, #tpu.memory_space<vmem>>
      %dma_start3A_51 = arith.constant 0 : i32
      %dma_start3A_52 = arith.constant 0 : i32
      %dma_start3A_53 = tpu.memref_slice %arg2[%dma_start3A_51, %dma_start3A_52] : memref<20000x128xf32, #tpu.memory_space<hbm>> -> memref<20000x128xf32, #tpu.memory_space<hbm>>
      tpu.enqueue_indirect_dma source(%dma_start3A_53 : memref<20000x128xf32, #tpu.memory_space<hbm>>) target(%dma_start3A_47 : memref<64x128xf32, #tpu.memory_space<vmem>>) offsets(%dma_start3A_50 : memref<64xi32, #tpu.memory_space<vmem>>) semaphore(%arg12 : memref<!tpu.dma_semaphore, #tpu.memory_space<semaphore_mem>>)
      %dma_start3A_54 = arith.constant 1 : i32
      %dma_start3A_55 = arith.constant 1 : i32
      %dma_start3A_56 = arith.constant 64 : i32
      %dma_start3A_57 = arith.constant 0 : i32
      %dma_start3A_58 = tpu.memref_slice %arg9[%dma_start3A_55, %dma_start3A_56, %dma_start3A_57] : memref<2x128x128xf32, #tpu.memory_space<vmem>> -> memref<1x64x128xf32, #tpu.memory_space<vmem>>
      %dma_start3A_59 = tpu.memref_squeeze %dma_start3A_58 : memref<1x64x128xf32, #tpu.memory_space<vmem>> -> memref<64x128xf32, #tpu.memory_space<vmem>>
      %dma_start3A_60 = arith.constant 64 : i32
      %dma_start3A_61 = tpu.memref_slice %arg7[%dma_start3A_54, %dma_start3A_60] : memref<40x128xi32, #tpu.memory_space<vmem>> -> memref<1x64xi32, #tpu.memory_space<vmem>>
      %dma_start3A_62 = tpu.memref_squeeze %dma_start3A_61 : memref<1x64xi32, #tpu.memory_space<vmem>> -> memref<64xi32, #tpu.memory_space<vmem>>
      %dma_start3A_63 = arith.constant 0 : i32
      %dma_start3A_64 = arith.constant 0 : i32
      %dma_start3A_65 = tpu.memref_slice %arg2[%dma_start3A_63, %dma_start3A_64] : memref<20000x128xf32, #tpu.memory_space<hbm>> -> memref<20000x128xf32, #tpu.memory_space<hbm>>
      tpu.enqueue_indirect_dma source(%dma_start3A_65 : memref<20000x128xf32, #tpu.memory_space<hbm>>) target(%dma_start3A_59 : memref<64x128xf32, #tpu.memory_space<vmem>>) offsets(%dma_start3A_62 : memref<64xi32, #tpu.memory_space<vmem>>) semaphore(%arg12 : memref<!tpu.dma_semaphore, #tpu.memory_space<semaphore_mem>>)
      %scan3A_66 = arith.constant 0 : i32
      %scan3A_67 = arith.constant 0 : i32
      %scan3A_68 = arith.constant 20 : i32
      %scan3A_69 = arith.addi %scan3A_67, %scan3A_68 : i32
      %scan3A_70 = arith.constant 1 : i32
      scf.for %scan3A_95 = %scan3A_67 to %scan3A_69 step %scan3A_70  : i32 {
        %mul3A_96 = arith.constant 2 : i32
        %mul3A_97 = arith.muli %mul3A_96, %scan3A_95 : i32
        %add3A_98 = arith.constant 0 : i32
        %add3A_99 = arith.addi %mul3A_97, %add3A_98 : i32
        %dma_wait3A_100 = arith.constant 0 : i32
        %dma_wait3A_101 = arith.constant 0 : i32
        %dma_wait3A_102 = arith.constant 0 : i32
        %dma_wait3A_103 = tpu.memref_slice %arg9[%dma_wait3A_100, %dma_wait3A_101, %dma_wait3A_102] : memref<2x128x128xf32, #tpu.memory_space<vmem>> -> memref<1x64x128xf32, #tpu.memory_space<vmem>>
        %dma_wait3A_104 = tpu.memref_squeeze %dma_wait3A_103 : memref<1x64x128xf32, #tpu.memory_space<vmem>> -> memref<64x128xf32, #tpu.memory_space<vmem>>
        %dma_wait3A_105 = arith.constant 0 : i32
        %dma_wait3A_106 = tpu.memref_slice %arg7[%add3A_99, %dma_wait3A_105] : memref<40x128xi32, #tpu.memory_space<vmem>> -> memref<1x64xi32, #tpu.memory_space<vmem>>
        %dma_wait3A_107 = tpu.memref_squeeze %dma_wait3A_106 : memref<1x64xi32, #tpu.memory_space<vmem>> -> memref<64xi32, #tpu.memory_space<vmem>>
        %dma_wait3A_108 = arith.constant 0 : i32
        %dma_wait3A_109 = arith.constant 0 : i32
        %dma_wait3A_110 = tpu.memref_slice %arg2[%dma_wait3A_108, %dma_wait3A_109] : memref<20000x128xf32, #tpu.memory_space<hbm>> -> memref<20000x128xf32, #tpu.memory_space<hbm>>
        tpu.wait_indirect_dma semaphore(%arg11 : memref<!tpu.dma_semaphore, #tpu.memory_space<semaphore_mem>>) src(%dma_wait3A_110 : memref<20000x128xf32, #tpu.memory_space<hbm>>) dst(%dma_wait3A_104 : memref<64x128xf32, #tpu.memory_space<vmem>>)
        %dma_wait3A_111 = arith.constant 0 : i32
        %dma_wait3A_112 = arith.constant 64 : i32
        %dma_wait3A_113 = arith.constant 0 : i32
        %dma_wait3A_114 = tpu.memref_slice %arg9[%dma_wait3A_111, %dma_wait3A_112, %dma_wait3A_113] : memref<2x128x128xf32, #tpu.memory_space<vmem>> -> memref<1x64x128xf32, #tpu.memory_space<vmem>>
        %dma_wait3A_115 = tpu.memref_squeeze %dma_wait3A_114 : memref<1x64x128xf32, #tpu.memory_space<vmem>> -> memref<64x128xf32, #tpu.memory_space<vmem>>
        %dma_wait3A_116 = arith.constant 64 : i32
        %dma_wait3A_117 = tpu.memref_slice %arg7[%add3A_99, %dma_wait3A_116] : memref<40x128xi32, #tpu.memory_space<vmem>> -> memref<1x64xi32, #tpu.memory_space<vmem>>
        %dma_wait3A_118 = tpu.memref_squeeze %dma_wait3A_117 : memref<1x64xi32, #tpu.memory_space<vmem>> -> memref<64xi32, #tpu.memory_space<vmem>>
        %dma_wait3A_119 = arith.constant 0 : i32
        %dma_wait3A_120 = arith.constant 0 : i32
        %dma_wait3A_121 = tpu.memref_slice %arg2[%dma_wait3A_119, %dma_wait3A_120] : memref<20000x128xf32, #tpu.memory_space<hbm>> -> memref<20000x128xf32, #tpu.memory_space<hbm>>
        tpu.wait_indirect_dma semaphore(%arg11 : memref<!tpu.dma_semaphore, #tpu.memory_space<semaphore_mem>>) src(%dma_wait3A_121 : memref<20000x128xf32, #tpu.memory_space<hbm>>) dst(%dma_wait3A_115 : memref<64x128xf32, #tpu.memory_space<vmem>>)
        %dma_start3A_122 = arith.constant 0 : i32
        %dma_start3A_123 = arith.constant 0 : i32
        %dma_start3A_124 = arith.constant 0 : i32
        %dma_start3A_125 = tpu.memref_slice %arg9[%dma_start3A_122, %dma_start3A_123, %dma_start3A_124] : memref<2x128x128xf32, #tpu.memory_space<vmem>> -> memref<1x128x128xf32, #tpu.memory_space<vmem>>
        %dma_start3A_126 = tpu.memref_squeeze %dma_start3A_125 : memref<1x128x128xf32, #tpu.memory_space<vmem>> -> memref<128x128xf32, #tpu.memory_space<vmem>>
        %dma_start3A_127 = arith.constant 0 : i32
        %dma_start3A_128 = tpu.memref_slice %arg8[%add3A_99, %dma_start3A_127] : memref<40x128xi32, #tpu.memory_space<vmem>> -> memref<1x128xi32, #tpu.memory_space<vmem>>
        %dma_start3A_129 = tpu.memref_squeeze %dma_start3A_128 : memref<1x128xi32, #tpu.memory_space<vmem>> -> memref<128xi32, #tpu.memory_space<vmem>>
        %dma_start3A_130 = arith.constant 0 : i32
        %dma_start3A_131 = arith.constant 0 : i32
        %dma_start3A_132 = tpu.memref_slice %arg10[%dma_start3A_130, %dma_start3A_131] : memref<10240x128xf32, #tpu.memory_space<vmem_shared>> -> memref<10240x128xf32, #tpu.memory_space<vmem_shared>>
        tpu.enqueue_indirect_dma source(%dma_start3A_126 : memref<128x128xf32, #tpu.memory_space<vmem>>) target(%dma_start3A_132 : memref<10240x128xf32, #tpu.memory_space<vmem_shared>>) offsets(%dma_start3A_129 : memref<128xi32, #tpu.memory_space<vmem>>) semaphore(%arg13 : memref<!tpu.dma_semaphore, #tpu.memory_space<semaphore_mem>>) {add = true}
        %add3A_133 = arith.constant 2 : i32
        %add3A_134 = arith.addi %add3A_99, %add3A_133 : i32
        %lt3A = arith.constant 40 : i32
        %lt3A_135 = arith.cmpi slt, %add3A_134, %lt3A : i32
        %convert_element_type3A = arith.extui %lt3A_135 : i1 to i32
        %cond3A = arith.constant 0 : i32
        %cond3A_136 = arith.cmpi ne, %convert_element_type3A, %cond3A : i32
        scf.if %cond3A_136 {
          %dma_wait3A_181 = arith.constant 0 : i32
          %dma_wait3A_182 = arith.constant 0 : i32
          %dma_wait3A_183 = arith.constant 0 : i32
          %dma_wait3A_184 = tpu.memref_slice %arg9[%dma_wait3A_181, %dma_wait3A_182, %dma_wait3A_183] : memref<2x128x128xf32, #tpu.memory_space<vmem>> -> memref<1x128x128xf32, #tpu.memory_space<vmem>>
          %dma_wait3A_185 = tpu.memref_squeeze %dma_wait3A_184 : memref<1x128x128xf32, #tpu.memory_space<vmem>> -> memref<128x128xf32, #tpu.memory_space<vmem>>
          %dma_wait3A_186 = arith.constant 0 : i32
          %dma_wait3A_187 = tpu.memref_slice %arg8[%add3A_99, %dma_wait3A_186] : memref<40x128xi32, #tpu.memory_space<vmem>> -> memref<1x128xi32, #tpu.memory_space<vmem>>
          %dma_wait3A_188 = tpu.memref_squeeze %dma_wait3A_187 : memref<1x128xi32, #tpu.memory_space<vmem>> -> memref<128xi32, #tpu.memory_space<vmem>>
          %dma_wait3A_189 = arith.constant 0 : i32
          %dma_wait3A_190 = arith.constant 0 : i32
          %dma_wait3A_191 = tpu.memref_slice %arg10[%dma_wait3A_189, %dma_wait3A_190] : memref<10240x128xf32, #tpu.memory_space<vmem_shared>> -> memref<10240x128xf32, #tpu.memory_space<vmem_shared>>
          tpu.wait_indirect_dma semaphore(%arg13 : memref<!tpu.dma_semaphore, #tpu.memory_space<semaphore_mem>>) src(%dma_wait3A_185 : memref<128x128xf32, #tpu.memory_space<vmem>>) dst(%dma_wait3A_191 : memref<10240x128xf32, #tpu.memory_space<vmem_shared>>)
          %add3A_192 = arith.constant 2 : i32
          %add3A_193 = arith.addi %add3A_99, %add3A_192 : i32
          %dma_start3A_194 = arith.constant 0 : i32
          %dma_start3A_195 = arith.constant 0 : i32
          %dma_start3A_196 = arith.constant 0 : i32
          %dma_start3A_197 = tpu.memref_slice %arg9[%dma_start3A_194, %dma_start3A_195, %dma_start3A_196] : memref<2x128x128xf32, #tpu.memory_space<vmem>> -> memref<1x64x128xf32, #tpu.memory_space<vmem>>
          %dma_start3A_198 = tpu.memref_squeeze %dma_start3A_197 : memref<1x64x128xf32, #tpu.memory_space<vmem>> -> memref<64x128xf32, #tpu.memory_space<vmem>>
          %dma_start3A_199 = arith.constant 0 : i32
          %dma_start3A_200 = tpu.memref_slice %arg7[%add3A_193, %dma_start3A_199] : memref<40x128xi32, #tpu.memory_space<vmem>> -> memref<1x64xi32, #tpu.memory_space<vmem>>
          %dma_start3A_201 = tpu.memref_squeeze %dma_start3A_200 : memref<1x64xi32, #tpu.memory_space<vmem>> -> memref<64xi32, #tpu.memory_space<vmem>>
          %dma_start3A_202 = arith.constant 0 : i32
          %dma_start3A_203 = arith.constant 0 : i32
          %dma_start3A_204 = tpu.memref_slice %arg2[%dma_start3A_202, %dma_start3A_203] : memref<20000x128xf32, #tpu.memory_space<hbm>> -> memref<20000x128xf32, #tpu.memory_space<hbm>>
          tpu.enqueue_indirect_dma source(%dma_start3A_204 : memref<20000x128xf32, #tpu.memory_space<hbm>>) target(%dma_start3A_198 : memref<64x128xf32, #tpu.memory_space<vmem>>) offsets(%dma_start3A_201 : memref<64xi32, #tpu.memory_space<vmem>>) semaphore(%arg11 : memref<!tpu.dma_semaphore, #tpu.memory_space<semaphore_mem>>)
          %dma_start3A_205 = arith.constant 0 : i32
          %dma_start3A_206 = arith.constant 64 : i32
          %dma_start3A_207 = arith.constant 0 : i32
          %dma_start3A_208 = tpu.memref_slice %arg9[%dma_start3A_205, %dma_start3A_206, %dma_start3A_207] : memref<2x128x128xf32, #tpu.memory_space<vmem>> -> memref<1x64x128xf32, #tpu.memory_space<vmem>>
          %dma_start3A_209 = tpu.memref_squeeze %dma_start3A_208 : memref<1x64x128xf32, #tpu.memory_space<vmem>> -> memref<64x128xf32, #tpu.memory_space<vmem>>
          %dma_start3A_210 = arith.constant 64 : i32
          %dma_start3A_211 = tpu.memref_slice %arg7[%add3A_193, %dma_start3A_210] : memref<40x128xi32, #tpu.memory_space<vmem>> -> memref<1x64xi32, #tpu.memory_space<vmem>>
          %dma_start3A_212 = tpu.memref_squeeze %dma_start3A_211 : memref<1x64xi32, #tpu.memory_space<vmem>> -> memref<64xi32, #tpu.memory_space<vmem>>
          %dma_start3A_213 = arith.constant 0 : i32
          %dma_start3A_214 = arith.constant 0 : i32
          %dma_start3A_215 = tpu.memref_slice %arg2[%dma_start3A_213, %dma_start3A_214] : memref<20000x128xf32, #tpu.memory_space<hbm>> -> memref<20000x128xf32, #tpu.memory_space<hbm>>
          tpu.enqueue_indirect_dma source(%dma_start3A_215 : memref<20000x128xf32, #tpu.memory_space<hbm>>) target(%dma_start3A_209 : memref<64x128xf32, #tpu.memory_space<vmem>>) offsets(%dma_start3A_212 : memref<64xi32, #tpu.memory_space<vmem>>) semaphore(%arg11 : memref<!tpu.dma_semaphore, #tpu.memory_space<semaphore_mem>>)
        } else {
        }
        %mul3A_137 = arith.constant 2 : i32
        %mul3A_138 = arith.muli %mul3A_137, %scan3A_95 : i32
        %add3A_139 = arith.constant 1 : i32
        %add3A_140 = arith.addi %mul3A_138, %add3A_139 : i32
        %dma_wait3A_141 = arith.constant 1 : i32
        %dma_wait3A_142 = arith.constant 0 : i32
        %dma_wait3A_143 = arith.constant 0 : i32
        %dma_wait3A_144 = tpu.memref_slice %arg9[%dma_wait3A_141, %dma_wait3A_142, %dma_wait3A_143] : memref<2x128x128xf32, #tpu.memory_space<vmem>> -> memref<1x64x128xf32, #tpu.memory_space<vmem>>
        %dma_wait3A_145 = tpu.memref_squeeze %dma_wait3A_144 : memref<1x64x128xf32, #tpu.memory_space<vmem>> -> memref<64x128xf32, #tpu.memory_space<vmem>>
        %dma_wait3A_146 = arith.constant 0 : i32
        %dma_wait3A_147 = tpu.memref_slice %arg7[%add3A_140, %dma_wait3A_146] : memref<40x128xi32, #tpu.memory_space<vmem>> -> memref<1x64xi32, #tpu.memory_space<vmem>>
        %dma_wait3A_148 = tpu.memref_squeeze %dma_wait3A_147 : memref<1x64xi32, #tpu.memory_space<vmem>> -> memref<64xi32, #tpu.memory_space<vmem>>
        %dma_wait3A_149 = arith.constant 0 : i32
        %dma_wait3A_150 = arith.constant 0 : i32
        %dma_wait3A_151 = tpu.memref_slice %arg2[%dma_wait3A_149, %dma_wait3A_150] : memref<20000x128xf32, #tpu.memory_space<hbm>> -> memref<20000x128xf32, #tpu.memory_space<hbm>>
        tpu.wait_indirect_dma semaphore(%arg12 : memref<!tpu.dma_semaphore, #tpu.memory_space<semaphore_mem>>) src(%dma_wait3A_151 : memref<20000x128xf32, #tpu.memory_space<hbm>>) dst(%dma_wait3A_145 : memref<64x128xf32, #tpu.memory_space<vmem>>)
        %dma_wait3A_152 = arith.constant 1 : i32
        %dma_wait3A_153 = arith.constant 64 : i32
        %dma_wait3A_154 = arith.constant 0 : i32
        %dma_wait3A_155 = tpu.memref_slice %arg9[%dma_wait3A_152, %dma_wait3A_153, %dma_wait3A_154] : memref<2x128x128xf32, #tpu.memory_space<vmem>> -> memref<1x64x128xf32, #tpu.memory_space<vmem>>
        %dma_wait3A_156 = tpu.memref_squeeze %dma_wait3A_155 : memref<1x64x128xf32, #tpu.memory_space<vmem>> -> memref<64x128xf32, #tpu.memory_space<vmem>>
        %dma_wait3A_157 = arith.constant 64 : i32
        %dma_wait3A_158 = tpu.memref_slice %arg7[%add3A_140, %dma_wait3A_157] : memref<40x128xi32, #tpu.memory_space<vmem>> -> memref<1x64xi32, #tpu.memory_space<vmem>>
        %dma_wait3A_159 = tpu.memref_squeeze %dma_wait3A_158 : memref<1x64xi32, #tpu.memory_space<vmem>> -> memref<64xi32, #tpu.memory_space<vmem>>
        %dma_wait3A_160 = arith.constant 0 : i32
        %dma_wait3A_161 = arith.constant 0 : i32
        %dma_wait3A_162 = tpu.memref_slice %arg2[%dma_wait3A_160, %dma_wait3A_161] : memref<20000x128xf32, #tpu.memory_space<hbm>> -> memref<20000x128xf32, #tpu.memory_space<hbm>>
        tpu.wait_indirect_dma semaphore(%arg12 : memref<!tpu.dma_semaphore, #tpu.memory_space<semaphore_mem>>) src(%dma_wait3A_162 : memref<20000x128xf32, #tpu.memory_space<hbm>>) dst(%dma_wait3A_156 : memref<64x128xf32, #tpu.memory_space<vmem>>)
        %dma_start3A_163 = arith.constant 1 : i32
        %dma_start3A_164 = arith.constant 0 : i32
        %dma_start3A_165 = arith.constant 0 : i32
        %dma_start3A_166 = tpu.memref_slice %arg9[%dma_start3A_163, %dma_start3A_164, %dma_start3A_165] : memref<2x128x128xf32, #tpu.memory_space<vmem>> -> memref<1x128x128xf32, #tpu.memory_space<vmem>>
        %dma_start3A_167 = tpu.memref_squeeze %dma_start3A_166 : memref<1x128x128xf32, #tpu.memory_space<vmem>> -> memref<128x128xf32, #tpu.memory_space<vmem>>
        %dma_start3A_168 = arith.constant 0 : i32
        %dma_start3A_169 = tpu.memref_slice %arg8[%add3A_140, %dma_start3A_168] : memref<40x128xi32, #tpu.memory_space<vmem>> -> memref<1x128xi32, #tpu.memory_space<vmem>>
        %dma_start3A_170 = tpu.memref_squeeze %dma_start3A_169 : memref<1x128xi32, #tpu.memory_space<vmem>> -> memref<128xi32, #tpu.memory_space<vmem>>
        %dma_start3A_171 = arith.constant 0 : i32
        %dma_start3A_172 = arith.constant 0 : i32
        %dma_start3A_173 = tpu.memref_slice %arg10[%dma_start3A_171, %dma_start3A_172] : memref<10240x128xf32, #tpu.memory_space<vmem_shared>> -> memref<10240x128xf32, #tpu.memory_space<vmem_shared>>
        tpu.enqueue_indirect_dma source(%dma_start3A_167 : memref<128x128xf32, #tpu.memory_space<vmem>>) target(%dma_start3A_173 : memref<10240x128xf32, #tpu.memory_space<vmem_shared>>) offsets(%dma_start3A_170 : memref<128xi32, #tpu.memory_space<vmem>>) semaphore(%arg14 : memref<!tpu.dma_semaphore, #tpu.memory_space<semaphore_mem>>) {add = true}
        %add3A_174 = arith.constant 2 : i32
        %add3A_175 = arith.addi %add3A_140, %add3A_174 : i32
        %lt3A_176 = arith.constant 40 : i32
        %lt3A_177 = arith.cmpi slt, %add3A_175, %lt3A_176 : i32
        %convert_element_type3A_178 = arith.extui %lt3A_177 : i1 to i32
        %cond3A_179 = arith.constant 0 : i32
        %cond3A_180 = arith.cmpi ne, %convert_element_type3A_178, %cond3A_179 : i32
        scf.if %cond3A_180 {
          %dma_wait3A_181 = arith.constant 1 : i32
          %dma_wait3A_182 = arith.constant 0 : i32
          %dma_wait3A_183 = arith.constant 0 : i32
          %dma_wait3A_184 = tpu.memref_slice %arg9[%dma_wait3A_181, %dma_wait3A_182, %dma_wait3A_183] : memref<2x128x128xf32, #tpu.memory_space<vmem>> -> memref<1x128x128xf32, #tpu.memory_space<vmem>>
          %dma_wait3A_185 = tpu.memref_squeeze %dma_wait3A_184 : memref<1x128x128xf32, #tpu.memory_space<vmem>> -> memref<128x128xf32, #tpu.memory_space<vmem>>
          %dma_wait3A_186 = arith.constant 0 : i32
          %dma_wait3A_187 = tpu.memref_slice %arg8[%add3A_140, %dma_wait3A_186] : memref<40x128xi32, #tpu.memory_space<vmem>> -> memref<1x128xi32, #tpu.memory_space<vmem>>
          %dma_wait3A_188 = tpu.memref_squeeze %dma_wait3A_187 : memref<1x128xi32, #tpu.memory_space<vmem>> -> memref<128xi32, #tpu.memory_space<vmem>>
          %dma_wait3A_189 = arith.constant 0 : i32
          %dma_wait3A_190 = arith.constant 0 : i32
          %dma_wait3A_191 = tpu.memref_slice %arg10[%dma_wait3A_189, %dma_wait3A_190] : memref<10240x128xf32, #tpu.memory_space<vmem_shared>> -> memref<10240x128xf32, #tpu.memory_space<vmem_shared>>
          tpu.wait_indirect_dma semaphore(%arg14 : memref<!tpu.dma_semaphore, #tpu.memory_space<semaphore_mem>>) src(%dma_wait3A_185 : memref<128x128xf32, #tpu.memory_space<vmem>>) dst(%dma_wait3A_191 : memref<10240x128xf32, #tpu.memory_space<vmem_shared>>)
          %add3A_192 = arith.constant 2 : i32
          %add3A_193 = arith.addi %add3A_140, %add3A_192 : i32
          %dma_start3A_194 = arith.constant 1 : i32
          %dma_start3A_195 = arith.constant 0 : i32
          %dma_start3A_196 = arith.constant 0 : i32
          %dma_start3A_197 = tpu.memref_slice %arg9[%dma_start3A_194, %dma_start3A_195, %dma_start3A_196] : memref<2x128x128xf32, #tpu.memory_space<vmem>> -> memref<1x64x128xf32, #tpu.memory_space<vmem>>
          %dma_start3A_198 = tpu.memref_squeeze %dma_start3A_197 : memref<1x64x128xf32, #tpu.memory_space<vmem>> -> memref<64x128xf32, #tpu.memory_space<vmem>>
          %dma_start3A_199 = arith.constant 0 : i32
          %dma_start3A_200 = tpu.memref_slice %arg7[%add3A_193, %dma_start3A_199] : memref<40x128xi32, #tpu.memory_space<vmem>> -> memref<1x64xi32, #tpu.memory_space<vmem>>
          %dma_start3A_201 = tpu.memref_squeeze %dma_start3A_200 : memref<1x64xi32, #tpu.memory_space<vmem>> -> memref<64xi32, #tpu.memory_space<vmem>>
          %dma_start3A_202 = arith.constant 0 : i32
          %dma_start3A_203 = arith.constant 0 : i32
          %dma_start3A_204 = tpu.memref_slice %arg2[%dma_start3A_202, %dma_start3A_203] : memref<20000x128xf32, #tpu.memory_space<hbm>> -> memref<20000x128xf32, #tpu.memory_space<hbm>>
          tpu.enqueue_indirect_dma source(%dma_start3A_204 : memref<20000x128xf32, #tpu.memory_space<hbm>>) target(%dma_start3A_198 : memref<64x128xf32, #tpu.memory_space<vmem>>) offsets(%dma_start3A_201 : memref<64xi32, #tpu.memory_space<vmem>>) semaphore(%arg12 : memref<!tpu.dma_semaphore, #tpu.memory_space<semaphore_mem>>)
          %dma_start3A_205 = arith.constant 1 : i32
          %dma_start3A_206 = arith.constant 64 : i32
          %dma_start3A_207 = arith.constant 0 : i32
          %dma_start3A_208 = tpu.memref_slice %arg9[%dma_start3A_205, %dma_start3A_206, %dma_start3A_207] : memref<2x128x128xf32, #tpu.memory_space<vmem>> -> memref<1x64x128xf32, #tpu.memory_space<vmem>>
          %dma_start3A_209 = tpu.memref_squeeze %dma_start3A_208 : memref<1x64x128xf32, #tpu.memory_space<vmem>> -> memref<64x128xf32, #tpu.memory_space<vmem>>
          %dma_start3A_210 = arith.constant 64 : i32
          %dma_start3A_211 = tpu.memref_slice %arg7[%add3A_193, %dma_start3A_210] : memref<40x128xi32, #tpu.memory_space<vmem>> -> memref<1x64xi32, #tpu.memory_space<vmem>>
          %dma_start3A_212 = tpu.memref_squeeze %dma_start3A_211 : memref<1x64xi32, #tpu.memory_space<vmem>> -> memref<64xi32, #tpu.memory_space<vmem>>
          %dma_start3A_213 = arith.constant 0 : i32
          %dma_start3A_214 = arith.constant 0 : i32
          %dma_start3A_215 = tpu.memref_slice %arg2[%dma_start3A_213, %dma_start3A_214] : memref<20000x128xf32, #tpu.memory_space<hbm>> -> memref<20000x128xf32, #tpu.memory_space<hbm>>
          tpu.enqueue_indirect_dma source(%dma_start3A_215 : memref<20000x128xf32, #tpu.memory_space<hbm>>) target(%dma_start3A_209 : memref<64x128xf32, #tpu.memory_space<vmem>>) offsets(%dma_start3A_212 : memref<64xi32, #tpu.memory_space<vmem>>) semaphore(%arg12 : memref<!tpu.dma_semaphore, #tpu.memory_space<semaphore_mem>>)
        } else {
        }
      }
      %scan3A_71 = arith.constant 20 : i32
      %dma_wait3A = arith.constant 0 : i32
      %dma_wait3A_72 = arith.constant 38 : i32
      %dma_wait3A_73 = arith.constant 0 : i32
      %dma_wait3A_74 = arith.constant 0 : i32
      %dma_wait3A_75 = tpu.memref_slice %arg9[%dma_wait3A, %dma_wait3A_73, %dma_wait3A_74] : memref<2x128x128xf32, #tpu.memory_space<vmem>> -> memref<1x128x128xf32, #tpu.memory_space<vmem>>
      %dma_wait3A_76 = tpu.memref_squeeze %dma_wait3A_75 : memref<1x128x128xf32, #tpu.memory_space<vmem>> -> memref<128x128xf32, #tpu.memory_space<vmem>>
      %dma_wait3A_77 = arith.constant 0 : i32
      %dma_wait3A_78 = tpu.memref_slice %arg8[%dma_wait3A_72, %dma_wait3A_77] : memref<40x128xi32, #tpu.memory_space<vmem>> -> memref<1x128xi32, #tpu.memory_space<vmem>>
      %dma_wait3A_79 = tpu.memref_squeeze %dma_wait3A_78 : memref<1x128xi32, #tpu.memory_space<vmem>> -> memref<128xi32, #tpu.memory_space<vmem>>
      %dma_wait3A_80 = arith.constant 0 : i32
      %dma_wait3A_81 = arith.constant 0 : i32
      %dma_wait3A_82 = tpu.memref_slice %arg10[%dma_wait3A_80, %dma_wait3A_81] : memref<10240x128xf32, #tpu.memory_space<vmem_shared>> -> memref<10240x128xf32, #tpu.memory_space<vmem_shared>>
      tpu.wait_indirect_dma semaphore(%arg13 : memref<!tpu.dma_semaphore, #tpu.memory_space<semaphore_mem>>) src(%dma_wait3A_76 : memref<128x128xf32, #tpu.memory_space<vmem>>) dst(%dma_wait3A_82 : memref<10240x128xf32, #tpu.memory_space<vmem_shared>>)
      %dma_wait3A_83 = arith.constant 1 : i32
      %dma_wait3A_84 = arith.constant 39 : i32
      %dma_wait3A_85 = arith.constant 0 : i32
      %dma_wait3A_86 = arith.constant 0 : i32
      %dma_wait3A_87 = tpu.memref_slice %arg9[%dma_wait3A_83, %dma_wait3A_85, %dma_wait3A_86] : memref<2x128x128xf32, #tpu.memory_space<vmem>> -> memref<1x128x128xf32, #tpu.memory_space<vmem>>
      %dma_wait3A_88 = tpu.memref_squeeze %dma_wait3A_87 : memref<1x128x128xf32, #tpu.memory_space<vmem>> -> memref<128x128xf32, #tpu.memory_space<vmem>>
      %dma_wait3A_89 = arith.constant 0 : i32
      %dma_wait3A_90 = tpu.memref_slice %arg8[%dma_wait3A_84, %dma_wait3A_89] : memref<40x128xi32, #tpu.memory_space<vmem>> -> memref<1x128xi32, #tpu.memory_space<vmem>>
      %dma_wait3A_91 = tpu.memref_squeeze %dma_wait3A_90 : memref<1x128xi32, #tpu.memory_space<vmem>> -> memref<128xi32, #tpu.memory_space<vmem>>
      %dma_wait3A_92 = arith.constant 0 : i32
      %dma_wait3A_93 = arith.constant 0 : i32
      %dma_wait3A_94 = tpu.memref_slice %arg10[%dma_wait3A_92, %dma_wait3A_93] : memref<10240x128xf32, #tpu.memory_space<vmem_shared>> -> memref<10240x128xf32, #tpu.memory_space<vmem_shared>>
      tpu.wait_indirect_dma semaphore(%arg14 : memref<!tpu.dma_semaphore, #tpu.memory_space<semaphore_mem>>) src(%dma_wait3A_88 : memref<128x128xf32, #tpu.memory_space<vmem>>) dst(%dma_wait3A_94 : memref<10240x128xf32, #tpu.memory_space<vmem_shared>>)
    }
    %scan3A_7 = arith.constant 4 : i32
    %barrier3A_8 = arith.constant 0 : index
    tpu.barrier barrier_id(%barrier3A_8)
    %mul3A_9 = arith.constant 640 : i32
    %mul3A_10 = arith.muli %arg1, %mul3A_9 : i32
    %mul3A_11 = arith.constant 640 : i32
    %mul3A_12 = arith.muli %add3A, %mul3A_11 : i32
    "tpu.region"() ({
      %run_scoped3A = tpu.sem_alloc : memref<!tpu.dma_semaphore, #tpu.memory_space<semaphore_mem>>
      %dma_start3A = arith.constant 0 : i32
      %dma_start3A_13 = tpu.memref_slice %arg6[%mul3A_12, %dma_start3A] : memref<20480x128xf32, #tpu.memory_space<hbm>> -> memref<640x128xf32, #tpu.memory_space<hbm>>
      %dma_start3A_14 = arith.constant 0 : i32
      %dma_start3A_15 = tpu.memref_slice %arg10[%mul3A_10, %dma_start3A_14] : memref<10240x128xf32, #tpu.memory_space<vmem_shared>> -> memref<640x128xf32, #tpu.memory_space<vmem_shared>>
      tpu.enqueue_dma source(%dma_start3A_15 : memref<640x128xf32, #tpu.memory_space<vmem_shared>>) target(%dma_start3A_13 : memref<640x128xf32, #tpu.memory_space<hbm>>) target_semaphore(%run_scoped3A : memref<!tpu.dma_semaphore, #tpu.memory_space<semaphore_mem>>)
      %dma_wait3A = arith.constant 0 : i32
      %dma_wait3A_16 = tpu.memref_slice %arg6[%mul3A_12, %dma_wait3A] : memref<20480x128xf32, #tpu.memory_space<hbm>> -> memref<640x128xf32, #tpu.memory_space<hbm>>
      %dma_wait3A_17 = arith.constant 0 : i32
      %dma_wait3A_18 = tpu.memref_slice %arg10[%mul3A_10, %dma_wait3A_17] : memref<10240x128xf32, #tpu.memory_space<vmem_shared>> -> memref<640x128xf32, #tpu.memory_space<vmem_shared>>
      tpu.wait_dma2 semaphore(%run_scoped3A : memref<!tpu.dma_semaphore, #tpu.memory_space<semaphore_mem>>) src(%dma_wait3A_18 : memref<640x128xf32, #tpu.memory_space<vmem_shared>>) dst(%dma_wait3A_16 : memref<640x128xf32, #tpu.memory_space<hbm>>)
      tpu.yield
    }) : () -> ()
    return
  }
}

module attributes {stable_mosaic.version = 14 : i64} {
  func.func @_tc_l1_body(%arg0: i32, %arg1: memref<2000x128xf32, #tpu.memory_space<vmem>>, %arg2: memref<128x128xf32, #tpu.memory_space<vmem>>, %arg3: memref<2000x128xf32, #tpu.memory_space<vmem>>, %arg4: memref<2000x128xf32, #tpu.memory_space<vmem>>) attributes {dimension_semantics = [#tpu.dimension_semantics<arbitrary>], iteration_bounds = array<i64: 10>, scalar_prefetch = 0 : i64, scratch_operands = 0 : i64, tpu.core_type = #tpu.core_type<tc>, window_params = [{transform_indices = @transform_0, window_bounds = array<i64: 2000, 128>}, {pipeline_mode = #tpu.pipeline_mode<synchronous>, transform_indices = @transform_1, window_bounds = array<i64: 128, 128>}, {transform_indices = @transform_2, window_bounds = array<i64: 2000, 128>}, {transform_indices = @transform_3, window_bounds = array<i64: 2000, 128>}]} {
    %get3A = arith.constant 0 : index
    %get3A_0 = arith.constant 0 : index
    %get3A_1 = vector.load %arg1[%get3A, %get3A_0] : memref<2000x128xf32, #tpu.memory_space<vmem>>, vector<2000x128xf32>
    %get3A_2 = arith.constant 0 : index
    %get3A_3 = arith.constant 0 : index
    %get3A_4 = vector.load %arg2[%get3A_2, %get3A_3] : memref<128x128xf32, #tpu.memory_space<vmem>>, vector<128x128xf32>
    %dot_general3A = arith.constant dense<0.000000e+00> : vector<2000x128xf32>
    %dot_general3A_5 = tpu.matmul %get3A_1, %get3A_4, %dot_general3A {dimension_numbers = #tpu.dot_dimension_numbers<[1], [0], [0], [1], [0, 0, 1, 1], [], []>, transpose_lhs_hint = false} : vector<2000x128xf32>, vector<128x128xf32>, vector<2000x128xf32> -> vector<2000x128xf32>
    %get3A_6 = arith.constant 0 : index
    %get3A_7 = arith.constant 0 : index
    %get3A_8 = vector.load %arg3[%get3A_6, %get3A_7] : memref<2000x128xf32, #tpu.memory_space<vmem>>, vector<2000x128xf32>
    %slice3A = vector.extract_strided_slice %get3A_8 {offsets = [0, 0], sizes = [2000, 1], strides = [1, 1]} : vector<2000x128xf32> to vector<2000x1xf32>
    %add3A = arith.constant 1.000000e+00 : f32
    %add3A_9 = vector.broadcast %add3A : f32 to vector<2000x1xf32>
    %add3A_10 = arith.addf %add3A_9, %slice3A : vector<2000x1xf32>
    %rsqrt3A = math.rsqrt %add3A_10 : vector<2000x1xf32>
    %mul3A = vector.broadcast %rsqrt3A : vector<2000x1xf32> to vector<2000x128xf32>
    %mul3A_11 = arith.mulf %dot_general3A_5, %mul3A : vector<2000x128xf32>
    %swap3A = arith.constant 0 : index
    %swap3A_12 = arith.constant 0 : index
    %swap3A_13 = vector.load %arg4[%swap3A, %swap3A_12] : memref<2000x128xf32, #tpu.memory_space<vmem>>, vector<2000x128xf32>
    tpu.vector_store %arg4[%swap3A, %swap3A_12], %mul3A_11 {strides = array<i32>} : memref<2000x128xf32, #tpu.memory_space<vmem>>, vector<2000x128xf32>,
    return
  }
  func.func @transform_0(%arg0: i32) -> (i32, i32) {
    %c0_i32 = arith.constant 0 : i32
    %c0_i32_0 = arith.constant 0 : i32
    return %arg0, %c0_i32 : i32, i32
  }
  func.func @transform_1(%arg0: i32) -> (i32, i32) {
    %c0_i32 = arith.constant 0 : i32
    %c0_i32_0 = arith.constant 0 : i32
    %c0_i32_1 = arith.constant 0 : i32
    return %c0_i32, %c0_i32_0 : i32, i32
  }
  func.func @transform_2(%arg0: i32) -> (i32, i32) {
    %c0_i32 = arith.constant 0 : i32
    %c0_i32_0 = arith.constant 0 : i32
    return %arg0, %c0_i32 : i32, i32
  }
  func.func @transform_3(%arg0: i32) -> (i32, i32) {
    %c0_i32 = arith.constant 0 : i32
    %c0_i32_0 = arith.constant 0 : i32
    return %arg0, %c0_i32 : i32, i32
  }
}

module attributes {stable_mosaic.version = 14 : i64} {
  func.func @_tc_mid_body(%arg0: i32, %arg1: memref<2000x128xf32, #tpu.memory_space<vmem>>, %arg2: memref<2000x128xf32, #tpu.memory_space<vmem>>, %arg3: memref<2000x128xf32, #tpu.memory_space<vmem>>, %arg4: memref<128x128xf32, #tpu.memory_space<vmem>>, %arg5: memref<1x128xf32, #tpu.memory_space<vmem>>, %arg6: memref<2000x128xf32, #tpu.memory_space<vmem>>) attributes {dimension_semantics = [#tpu.dimension_semantics<arbitrary>], iteration_bounds = array<i64: 10>, scalar_prefetch = 0 : i64, scratch_operands = 0 : i64, tpu.core_type = #tpu.core_type<tc>, window_params = [{transform_indices = @transform_0, window_bounds = array<i64: 2000, 128>}, {transform_indices = @transform_1, window_bounds = array<i64: 2000, 128>}, {transform_indices = @transform_2, window_bounds = array<i64: 2000, 128>}, {pipeline_mode = #tpu.pipeline_mode<synchronous>, transform_indices = @transform_3, window_bounds = array<i64: 128, 128>}, {pipeline_mode = #tpu.pipeline_mode<synchronous>, transform_indices = @transform_4, window_bounds = array<i64: 1, 128>}, {transform_indices = @transform_5, window_bounds = array<i64: 2000, 128>}]} {
    %get3A = arith.constant 0 : index
    %get3A_0 = arith.constant 0 : index
    %get3A_1 = vector.load %arg3[%get3A, %get3A_0] : memref<2000x128xf32, #tpu.memory_space<vmem>>, vector<2000x128xf32>
    %slice3A = vector.extract_strided_slice %get3A_1 {offsets = [0, 0], sizes = [2000, 1], strides = [1, 1]} : vector<2000x128xf32> to vector<2000x1xf32>
    %add3A = arith.constant 1.000000e+00 : f32
    %add3A_2 = vector.broadcast %add3A : f32 to vector<2000x1xf32>
    %add3A_3 = arith.addf %add3A_2, %slice3A : vector<2000x1xf32>
    %rsqrt3A = math.rsqrt %add3A_3 : vector<2000x1xf32>
    %get3A_4 = arith.constant 0 : index
    %get3A_5 = arith.constant 0 : index
    %get3A_6 = vector.load %arg1[%get3A_4, %get3A_5] : memref<2000x128xf32, #tpu.memory_space<vmem>>, vector<2000x128xf32>
    %get3A_7 = arith.constant 0 : index
    %get3A_8 = arith.constant 0 : index
    %get3A_9 = vector.load %arg2[%get3A_7, %get3A_8] : memref<2000x128xf32, #tpu.memory_space<vmem>>, vector<2000x128xf32>
    %add3A_10 = arith.addf %get3A_6, %get3A_9 : vector<2000x128xf32>
    %mul3A = vector.broadcast %rsqrt3A : vector<2000x1xf32> to vector<2000x128xf32>
    %mul3A_11 = arith.mulf %mul3A, %add3A_10 : vector<2000x128xf32>
    %get3A_12 = arith.constant 0 : index
    %get3A_13 = arith.constant 0 : index
    %get3A_14 = vector.load %arg5[%get3A_12, %get3A_13] : memref<1x128xf32, #tpu.memory_space<vmem>>, vector<1x128xf32>
    %add3A_15 = vector.broadcast %get3A_14 : vector<1x128xf32> to vector<2000x128xf32>
    %add3A_16 = arith.addf %mul3A_11, %add3A_15 : vector<2000x128xf32>
    %get3A_17 = arith.constant 0 : index
    %get3A_18 = arith.constant 0 : index
    %get3A_19 = vector.load %arg4[%get3A_17, %get3A_18] : memref<128x128xf32, #tpu.memory_space<vmem>>, vector<128x128xf32>
    %dot_general3A = arith.constant dense<0.000000e+00> : vector<2000x128xf32>
    %dot_general3A_20 = tpu.matmul %add3A_16, %get3A_19, %dot_general3A {dimension_numbers = #tpu.dot_dimension_numbers<[1], [0], [0], [1], [0, 0, 1, 1], [], []>, transpose_lhs_hint = false} : vector<2000x128xf32>, vector<128x128xf32>, vector<2000x128xf32> -> vector<2000x128xf32>
    %mul3A_21 = vector.broadcast %rsqrt3A : vector<2000x1xf32> to vector<2000x128xf32>
    %mul3A_22 = arith.mulf %dot_general3A_20, %mul3A_21 : vector<2000x128xf32>
    %swap3A = arith.constant 0 : index
    %swap3A_23 = arith.constant 0 : index
    %swap3A_24 = vector.load %arg6[%swap3A, %swap3A_23] : memref<2000x128xf32, #tpu.memory_space<vmem>>, vector<2000x128xf32>
    tpu.vector_store %arg6[%swap3A, %swap3A_23], %mul3A_22 {strides = array<i32>} : memref<2000x128xf32, #tpu.memory_space<vmem>>, vector<2000x128xf32>,
    return
  }
  func.func @transform_0(%arg0: i32) -> (i32, i32) {
    %c0_i32 = arith.constant 0 : i32
    %c0_i32_0 = arith.constant 0 : i32
    return %arg0, %c0_i32 : i32, i32
  }
  func.func @transform_1(%arg0: i32) -> (i32, i32) {
    %c0_i32 = arith.constant 0 : i32
    %c0_i32_0 = arith.constant 0 : i32
    return %arg0, %c0_i32 : i32, i32
  }
  func.func @transform_2(%arg0: i32) -> (i32, i32) {
    %c0_i32 = arith.constant 0 : i32
    %c0_i32_0 = arith.constant 0 : i32
    return %arg0, %c0_i32 : i32, i32
  }
  func.func @transform_3(%arg0: i32) -> (i32, i32) {
    %c0_i32 = arith.constant 0 : i32
    %c0_i32_0 = arith.constant 0 : i32
    %c0_i32_1 = arith.constant 0 : i32
    return %c0_i32, %c0_i32_0 : i32, i32
  }
  func.func @transform_4(%arg0: i32) -> (i32, i32) {
    %c0_i32 = arith.constant 0 : i32
    %c0_i32_0 = arith.constant 0 : i32
    %c0_i32_1 = arith.constant 0 : i32
    return %c0_i32, %c0_i32_0 : i32, i32
  }
  func.func @transform_5(%arg0: i32) -> (i32, i32) {
    %c0_i32 = arith.constant 0 : i32
    %c0_i32_0 = arith.constant 0 : i32
    return %arg0, %c0_i32 : i32, i32
  }
}

module attributes {stable_mosaic.version = 14 : i64} {
  func.func @_tc_out_body(%arg0: i32, %arg1: memref<2000x128xf32, #tpu.memory_space<vmem>>, %arg2: memref<2000x128xf32, #tpu.memory_space<vmem>>, %arg3: memref<2000x128xf32, #tpu.memory_space<vmem>>, %arg4: memref<1x128xf32, #tpu.memory_space<vmem>>, %arg5: memref<2000x128xf32, #tpu.memory_space<vmem>>) attributes {dimension_semantics = [#tpu.dimension_semantics<arbitrary>], iteration_bounds = array<i64: 10>, scalar_prefetch = 0 : i64, scratch_operands = 0 : i64, tpu.core_type = #tpu.core_type<tc>, window_params = [{transform_indices = @transform_0, window_bounds = array<i64: 2000, 128>}, {transform_indices = @transform_1, window_bounds = array<i64: 2000, 128>}, {transform_indices = @transform_2, window_bounds = array<i64: 2000, 128>}, {pipeline_mode = #tpu.pipeline_mode<synchronous>, transform_indices = @transform_3, window_bounds = array<i64: 1, 128>}, {transform_indices = @transform_4, window_bounds = array<i64: 2000, 128>}]} {
    %get3A = arith.constant 0 : index
    %get3A_0 = arith.constant 0 : index
    %get3A_1 = vector.load %arg3[%get3A, %get3A_0] : memref<2000x128xf32, #tpu.memory_space<vmem>>, vector<2000x128xf32>
    %slice3A = vector.extract_strided_slice %get3A_1 {offsets = [0, 0], sizes = [2000, 1], strides = [1, 1]} : vector<2000x128xf32> to vector<2000x1xf32>
    %add3A = arith.constant 1.000000e+00 : f32
    %add3A_2 = vector.broadcast %add3A : f32 to vector<2000x1xf32>
    %add3A_3 = arith.addf %add3A_2, %slice3A : vector<2000x1xf32>
    %rsqrt3A = math.rsqrt %add3A_3 : vector<2000x1xf32>
    %get3A_4 = arith.constant 0 : index
    %get3A_5 = arith.constant 0 : index
    %get3A_6 = vector.load %arg1[%get3A_4, %get3A_5] : memref<2000x128xf32, #tpu.memory_space<vmem>>, vector<2000x128xf32>
    %get3A_7 = arith.constant 0 : index
    %get3A_8 = arith.constant 0 : index
    %get3A_9 = vector.load %arg2[%get3A_7, %get3A_8] : memref<2000x128xf32, #tpu.memory_space<vmem>>, vector<2000x128xf32>
    %add3A_10 = arith.addf %get3A_6, %get3A_9 : vector<2000x128xf32>
    %mul3A = vector.broadcast %rsqrt3A : vector<2000x1xf32> to vector<2000x128xf32>
    %mul3A_11 = arith.mulf %mul3A, %add3A_10 : vector<2000x128xf32>
    %get3A_12 = arith.constant 0 : index
    %get3A_13 = arith.constant 0 : index
    %get3A_14 = vector.load %arg4[%get3A_12, %get3A_13] : memref<1x128xf32, #tpu.memory_space<vmem>>, vector<1x128xf32>
    %add3A_15 = vector.broadcast %get3A_14 : vector<1x128xf32> to vector<2000x128xf32>
    %add3A_16 = arith.addf %mul3A_11, %add3A_15 : vector<2000x128xf32>
    %abs3A = math.absf %add3A_16 : vector<2000x128xf32>
    %reduce_sum3A = arith.constant dense<0.000000e+00> : vector<2000xf32>
    %reduce_sum3A_17 = vector.multi_reduction <add>, %abs3A, %reduce_sum3A [1] : vector<2000x128xf32> to vector<2000xf32>
    %broadcast_in_dim3A = vector.shape_cast %reduce_sum3A_17 : vector<2000xf32> to vector<2000x1xf32>
    %jit3A = arith.constant 9.99999996E-13 : f32
    %max3A = vector.broadcast %jit3A : f32 to vector<2000x1xf32>
    %max3A_18 = arith.maximumf %max3A, %broadcast_in_dim3A : vector<2000x1xf32>
    %div3A = vector.broadcast %max3A_18 : vector<2000x1xf32> to vector<2000x128xf32>
    %div3A_19 = arith.divf %add3A_16, %div3A : vector<2000x128xf32>
    %swap3A = arith.constant 0 : index
    %swap3A_20 = arith.constant 0 : index
    %swap3A_21 = vector.load %arg5[%swap3A, %swap3A_20] : memref<2000x128xf32, #tpu.memory_space<vmem>>, vector<2000x128xf32>
    tpu.vector_store %arg5[%swap3A, %swap3A_20], %div3A_19 {strides = array<i32>} : memref<2000x128xf32, #tpu.memory_space<vmem>>, vector<2000x128xf32>,
    return
  }
  func.func @transform_0(%arg0: i32) -> (i32, i32) {
    %c0_i32 = arith.constant 0 : i32
    %c0_i32_0 = arith.constant 0 : i32
    return %arg0, %c0_i32 : i32, i32
  }
  func.func @transform_1(%arg0: i32) -> (i32, i32) {
    %c0_i32 = arith.constant 0 : i32
    %c0_i32_0 = arith.constant 0 : i32
    return %arg0, %c0_i32 : i32, i32
  }
  func.func @transform_2(%arg0: i32) -> (i32, i32) {
    %c0_i32 = arith.constant 0 : i32
    %c0_i32_0 = arith.constant 0 : i32
    return %arg0, %c0_i32 : i32, i32
  }
  func.func @transform_3(%arg0: i32) -> (i32, i32) {
    %c0_i32 = arith.constant 0 : i32
    %c0_i32_0 = arith.constant 0 : i32
    %c0_i32_1 = arith.constant 0 : i32
    return %c0_i32, %c0_i32_0 : i32, i32
  }
  func.func @transform_4(%arg0: i32) -> (i32, i32) {
    %c0_i32 = arith.constant 0 : i32
    %c0_i32_0 = arith.constant 0 : i32
    return %arg0, %c0_i32 : i32, i32
  }
}

</mosaic_0001>

<sc_bundles>
// kernel: kernel.11.cloned.1.call-start
scs
__scs_entry_jumppad:
0x0: {  	(pc) =	sbr.rel $0x88, $3  }
0x1: {  	(tag) =	ssettag $0x0;
	lr =	simm.s32 $0x1  }
0x2: {  	[smem:$0x3F99] =	sst lr;
	_ =	strace $0xD0000000  }
0x3: {  	_ = 	snop  }
0x4: {  	_ = 	snop  }
0x5: {  	_ = 	snop  }
0x6: {  	_ = 	snop  }
0x7: {  	_ = 	snop  }
__scs_overlays_trampoline_lowered:
0x8: {  	[smem:$0x3FA8] =	sst s0  }
0x9: {  	[smem:$0x3FA9] =	sst s1  }
0xa: {  	[smem:$0x3FAA] =	sst s2  }
0xb: {  	[smem:$0x3FAB] =	sst s3  }
0xc: {  	[smem:$0x3FAC] =	sst s4  }
0xd: {  	[smem:$0x3FAD] =	sst s5  }
0xe: {  	[smem:$0x3FAE] =	sst s6  }
0xf: {  	[smem:$0x3FAF] =	sst s7  }
0x10: {  	[smem:$0x3FB0] =	sst s8  }
0x11: {  	[smem:$0x3FB1] =	sst s9;
	s0 =	simm.s32 @!p0 $0x0  }
0x12: {  	s1 =	sld [smem:$0x3F97];
	s0 =	simm.s32 @p0 $0x1  }
0x13: {  	[smem:$0x3FB2] =	sst s0;
	s0 =	simm.s32 @!p1 $0x0  }
0x14: {  	s2 =	sld [smem:$0x3F96];
	s0 =	simm.s32 @p1 $0x1  }
0x15: {  	[smem:$0x3FB3] =	sst s0;
	s0 =	simm.s32 @!p2 $0x0  }
0x16: {  	s3 =	sld [smem:$0x3FDB];
	s0 =	simm.s32 @p2 $0x1  }
0x17: {  	s4 =	simm.s32 $0x1BF5;
	[smem:$0x3FB5] =	sst s0  }
0x18: {  	s0 =	sld [smem:$0x3F98];
	_ =	swait.ge [sflag:s4], $0x0  }
0x19: {  	s7 =	sld [smem:$0x3F99]  }
0x1a: {  	s8 =	sadd.s32 $0xFFFFE003, lr  }
0x1b: {  	s9 =	sadd.s32 $0xFFFFFEF7, lr;
	s5 =	simm.s32 $0xFFFFFFFF;
	p2 =	slt.u32 s8, $0xFFFFF086  }
0x1c: {  	p1 =	slt.u32 s9, $0xF7A;
	s5 =	simm.s32 @!p2 $0x0  }
0x1d: {  	s5 =	simm.s32 @p1 $0x1;
	p0 =	seq.s32 s7, s2  }
0x1e: {  	s7 =	smul.u32 @!p0 $0xF7A, s2;
	p2 =	seq.s32 @!p0 s5, $0x0  }
0x1f: {  	s9 =	smul.u32 $0xF7A, s1;
	s8 =	simm.s32 @!p0 $0x1BF5;
	p2 =	por !p2, p0  }
0x20: {  	[sflag:s8] =	ssyncset.s32 @!p0 $0xFFFFF086;
	s6 =	sadd.s32 @!p0 s3, s7;
	s7 =	simm.s32 @!p0 $0x108  }
0x21: {  	s3 =	sadd.s32 s3, s9;
	s6 =	sadd.s32 @!p0 $0x88, s6;
	s7 =	simm.s32 @p2 $0x1082  }
0x22: {  	[simem:s7], [sflag:s8] =	dma.local @!p0 [hbm:s6], $0xF7A  }
0x23: {  	s9 =	sor.u32 $0xD0000000, s2;
	s6 =	simm.s32 $0x108;
	_ =	swait.ge @!p0 [sflag:s8], $0x0  }
0x24: {  	s3 =	sadd.s32 $0x88, s3;
	s6 =	simm.s32 @!p1 $0x1082;
	[sflag:s4] =	ssyncset.s32 $0xFFFFF086  }
0x25: {  	[simem:s6], [sflag:s4] =	dma.local [hbm:s3], $0xF7A  }
0x26: {  	[smem:$0x3F99] =	sst s1;
	(tag) =	ssettag s2;
	_ =	strace s9  }
0x27: {  	s1 =	sld [smem:$0x3FA9]  }
0x28: {  	s2 =	sld [smem:$0x3FAA]  }
0x29: {  	s4 =	sld [smem:$0x3FAC]  }
0x2a: {  	p0 =	seq.s32 s5, $0x0;
	s5 =	sld [smem:$0x3FAD]  }
0x2b: {  	s6 =	sld [smem:$0x3FAE]  }
0x2c: {  	s7 =	sld [smem:$0x3FAF]  }
0x2d: {  	s3 =	simm.s32 $0x108;
	s8 =	sld [smem:$0x3FB0]  }
0x2e: {  	s3 =	simm.s32 @!p0 $0x1082;
	s9 =	sld [smem:$0x3FB1]  }
0x2f: {  	lr =	sadd.s32 s0, s3;
	s0 =	sld [smem:$0x3FA8]  }
0x30: {  	s3 =	sld [smem:$0x3FAB]  }
0x31: {  	[smem:$0x3FB4] =	sst s10  }
0x32: {  	s10 =	sld [smem:$0x3FB2];
	_ =	sdelay $0x3  }
0x33: {  	p0 =	seq.s32 s10, $0x1;
	s10 =	sld [smem:$0x3FB4];
	_ =	sdelay $0x3  }
0x34: {  	[smem:$0x3FB4] =	sst s10  }
0x35: {  	s10 =	sld [smem:$0x3FB3];
	_ =	sdelay $0x3  }
0x36: {  	p1 =	seq.s32 s10, $0x1;
	s10 =	sld [smem:$0x3FB4];
	_ =	sdelay $0x3  }
0x37: {  	[smem:$0x3FB4] =	sst s10  }
0x38: {  	s10 =	sld [smem:$0x3FB5]  }
0x39: {  	_ = 	snop;
	(pc) =	sbr.ind lr, $3  }
0x3a: {  	_ = 	snop  }
0x3b: {  	_ = 	snop  }
0x3c: {  	p2 =	seq.s32 s10, $0x1;
	s10 =	sld [smem:$0x3FB4]  }
0x3d: {  	_ =	shalt  }
0x3e: {  	_ =	shalt  }
0x3f: {  	_ =	shalt  }
0x40: {  	_ =	shalt  }
0x41: {  	_ =	shalt  }
0x42: {  	_ =	shalt  }
0x43: {  	_ =	shalt  }
0x44: {  	_ =	shalt  }
0x45: {  	_ =	shalt  }
0x46: {  	_ =	shalt  }
0x47: {  	_ =	shalt  }
0x48: {  	_ =	shalt  }
0x49: {  	_ =	shalt  }
0x4a: {  	_ =	shalt  }
0x4b: {  	_ =	shalt  }
0x4c: {  	_ =	shalt  }
0x4d: {  	_ =	shalt  }
0x4e: {  	_ =	shalt  }
0x4f: {  	_ =	shalt  }
0x50: {  	_ =	shalt  }
0x51: {  	_ =	shalt  }
0x52: {  	_ =	shalt  }
0x53: {  	_ =	shalt  }
0x54: {  	_ =	shalt  }
0x55: {  	_ =	shalt  }
0x56: {  	_ =	shalt  }
0x57: {  	_ =	shalt  }
0x58: {  	_ =	shalt  }
0x59: {  	_ =	shalt  }
0x5a: {  	_ =	shalt  }
0x5b: {  	_ =	shalt  }
0x5c: {  	_ =	shalt  }
0x5d: {  	_ =	shalt  }
0x5e: {  	_ =	shalt  }
0x5f: {  	_ =	shalt  }
0x60: {  	_ =	shalt  }
0x61: {  	_ =	shalt  }
0x62: {  	_ =	shalt  }
0x63: {  	_ =	shalt  }
0x64: {  	_ =	shalt  }
0x65: {  	_ =	shalt  }
0x66: {  	_ =	shalt  }
0x67: {  	_ =	shalt  }
0x68: {  	_ =	shalt  }
0x69: {  	_ =	shalt  }
0x6a: {  	_ =	shalt  }
0x6b: {  	_ =	shalt  }
0x6c: {  	_ =	shalt  }
0x6d: {  	_ =	shalt  }
0x6e: {  	_ =	shalt  }
0x6f: {  	_ =	shalt  }
0x70: {  	_ =	shalt  }
0x71: {  	_ =	shalt  }
0x72: {  	_ =	shalt  }
0x73: {  	_ =	shalt  }
0x74: {  	_ =	shalt  }
0x75: {  	_ =	shalt  }
0x76: {  	_ =	shalt  }
0x77: {  	_ =	shalt  }
0x78: {  	_ =	shalt  }
0x79: {  	_ =	shalt  }
0x7a: {  	_ =	shalt  }
0x7b: {  	_ =	shalt  }
0x7c: {  	_ =	shalt  }
0x7d: {  	_ =	shalt  }
0x7e: {  	_ =	shalt  }
0x7f: {  	_ =	shalt  }
0x80: {  	_ =	shalt  }
0x81: {  	_ =	shalt  }
0x82: {  	_ =	shalt  }
0x83: {  	_ =	shalt  }
0x84: {  	_ =	shalt  }
0x85: {  	_ =	shalt  }
0x86: {  	_ =	shalt  }
0x87: {  	_ =	shalt  }
.Lfunc_end0:
.L_simem_size_0:
called_computation.1_lowered:
.L_overlay_start_0:
0x88: {  	s2 =	sld [smem:$0x3FD9]  }
0x89: {  	s3 =	sld [smem:$0x3FFE];
	_ =	sdelay $0x1  }
0x8a: {  	s1 =	srdreg.scid  }
0x8b: {  	s0 =	sand.u32 $0x1, s1  }
0x8c: {  	s14 =	sshll.u32 s0, $0xA;
	s2 =	sadd.s32 s3, s2  }
0x8d: {  	s2 =	sadd.s32 s2, s14  }
0x8e: {  	[smem:$0x3FC0] =	sst s2  }
0x8f: {  	_ = 	snop  }
0x90: {  	s2 =	sld [smem:$0x3FD0];
	_ =	sdelay $0x2  }
0x91: {  	s15 =	simm.s32 $0xA;
	s4 =	simm.s32 $0x10  }
0x92: {  	[smem:s4], [sflag:s15] =	dma.local [hbm:s2], $0x1  }
0x93: {  	_ =	swait.eq [sflag:s15], $0x1  }
0x94: {  	[sflag:s15] =	ssyncset.done $0x0  }
0x95: {  	s16 =	sld [smem:$0x10];
	[sflag:s15] =	ssyncadd.s32 $0xFFFFFFFF  }
0x96: {  	s17 =	sld [smem:$0x11];
	(tm) =	ssettm $0x1  }
0x97: {  	s18 =	sld [smem:$0x3FFB];
	_ =	sdelay $0x3  }
0x98: {  	_ =	strace s18  }
0x99: {  	s4 =	sld [smem:$0x3FFC];
	_ =	sdelay $0x3  }
0x9a: {  	_ =	strace s4  }
0x9b: {  	s4 =	sld [smem:$0x3FFD];
	_ =	sdelay $0x3  }
0x9c: {  	_ =	strace s4  }
0x9d: {  	_ =	strace $0x8FFFFFFF  }
0x9e: {  	s19 =	sld [smem:$0x3FDB];
	_ =	sdelay $0x1  }
0x9f: {  	s5 =	simm.s32 $_scs_section_size  }
0xa0: {  	s6 =	simm.s32 $_size__tile_overlayer_lowered;
	s7 =	simm.s32 $_tile_overlayer_lowered  }
0xa1: {  	s22 =	simm.s32 $0x1BFF;
	s21 =	sshll.u32 s7, $0x1;
	s4 =	sadd.s32 s5, s19  }
0xa2: {  	s8 =	simm.s32 $0x0;
	s20 =	sshll.u32 s6, $0x1;
	s6 =	sadd.s32 s21, s4  }
0xa3: {  	[timem:s8], [sflag:s22] =	dma.local [hbm:s6], s20  }
0xa4: {  	_ =	swait.ge [sflag:s22], s20  }
0xa5: {  	s5 =	ssub.s32 $0x0, s20;
	[sflag:s22] =	ssyncset.done $0x0  }
0xa6: {  	[sflag:s22] =	ssyncadd.s32 s5;
	_ =	sdelay $0x1  }
0xa7: {  	s23 =	simm.s32 $0x1B8B  }
0xa8: {  	_ =	swait.ge [sflag:s23], $0x1  }
0xa9: {  	[sflag:s23] =	ssyncset.done $0x0  }
0xaa: {  	s25 =	simm.s32 $0x1B8E;
	s24 =	sld [smem:$0x3FFE];
	[sflag:s23] =	ssyncadd.s32 $0xFFFFFFFF  }
0xab: {  	s26 =	simm.s32 $execute0_lowered;
	[smem:$0x3FD2] =	sst s25  }
0xac: {  	s6 =	sshll.u32 s26, $0x1;
	_ =	strace $0x80000049;
	[dreg:$0x1] =	wrdreg $0xFFFFFFFF  }
0xad: {  	s28 =	simm.s32 $_size_execute0_lowered;
	s4 =	sadd.s32 s4, s6;
	[dreg:$0x0] =	wrdreg $0x0  }
0xae: {  	s6 =	sshll.u32 s28, $0x1;
	[dreg:$0x2] =	wrdreg s4  }
0xaf: {  	[dreg:$0x3] =	wrdreg s6  }
0xb0: {  	[dreg:$0x4] =	wrdreg $0xC0  }
0xb1: {  	_ =	task [dreg:s8], $0x5FFFF  }
0xb2: {  	[dreg:$0x1] =	wrdreg $0xFFFFFFFF  }
0xb3: {  	[dreg:$0x0] =	wrdreg $0x60  }
0xb4: {  	[dreg:$0x2] =	wrdreg s24  }
0xb5: {  	[dreg:$0x3] =	wrdreg s17  }
0xb6: {  	[dreg:$0x4] =	wrdreg s16  }
0xb7: {  	[dreg:$0x5] =	wrdreg $0xA8000  }
0xb8: {  	[dreg:$0x6] =	wrdreg $0x9  }
0xb9: {  	_ =	task.clear_ibuf [dreg:s8], $0x7FFFF;
	_ =	strace $0x90000049  }
0xba: {  	s29 =	simm.s32 $0x9;
	_ =	strace $0x8000004B  }
0xbb: {  	_ =	swait.ge [sflag:s29], $0x1  }
0xbc: {  	[sflag:s29] =	ssyncadd.s32 $0xFFFFFFFF  }
0xbd: {  	_ =	strace $0x9000004B  }
0xbe: {  	_ =	sfence  }
0xbf: {  	s30 =	sld [smem:$0x0];
	_ =	sdelay $0x2  }
0xc0: {  	s31 =	sshll.u32 s1, $0xD;
	s1 =	sshrl.u32 s1, $0x2  }
0xc1: {  	s3 =	sand.u32 $0x4000, s31;
	s1 =	sadd.s32 s1, s30  }
0xc2: {  	s0 =	sor.u32 s3, s0;
	s1 =	sshll.u32 s1, $0x11  }
0xc3: {  	s0 =	sor.u32 s1, s0  }
0xc4: {  	s0 =	sadd.s32 $0x8F2B, s0  }
0xc5: {  	[sflag:s0] =	ssyncadd.remote.s32 $0x1  }
0xc6: {  	_ =	sfence.sel $0xFFFF  }
0xc7: {  	[dreg:$0x0] =	wrdreg $0xFFFFFFFF;
	(pc) =	sbr.abs _section_cstart, $3  }
0xc8: {  	[dreg:$0x1] =	wrdreg $0xFFFFFFFF  }
0xc9: {  	_ =	task.clear_ibuf [dreg:s8], $0x2FFFF;
	_ =	strace $0x9FFFFFFF  }
0xca: {  	(tm) =	ssettm $0x7FFFFFFF  }
0xcb: {  	_ =	shalt  }
tec
execute0_lowered:
.L_overlay_start_1:
0x0: {  	(tag) =	ssettag $0x1  }
0x1: {  	s8 =	rddreg [dreg:$0x0]  }
0x2: {  	s1 =	rddreg [dreg:$0x1]  }
0x3: {  	s2 =	rddreg [dreg:$0x2]  }
0x4: {  	s3 =	rddreg [dreg:$0x3]  }
0x5: {  	s4 =	srdreg.scid;
	s5 =	simm.s32 $0x0;
	s14 =	simm.s32 $0x1400  }
0x6: {  	s15 =	simm.s32 $0x40;
	s16 =	simm.s32 $0x2800;
	s17 =	simm.s32 $0x4800  }
0x7: {  	s18 =	simm.s32 $0x80;
	s19 =	simm.s32 $0x6800;
	s20 =	simm.s32 $0xC0  }
0x8: {  	s21 =	simm.s32 $0x8800;
	s22 =	simm.s32 $0x1;
	s23 =	simm.s32 $0x3  }
0x9: {  	s24 =	simm.s32 $0x2;
	s25 =	simm.s32 $0x4;
	s26 =	simm.s32 $0x2700  }
0xa: {  	s28 =	simm.s32 $0x2780;
	s7 =	sand.u32 $0x1, s4;
	[smem:$0x7FF] =	sst s5  }
0xb: {  	s4 =	stileid.u32;
	s6 =	sshll.u32 s7, $0x4;
	_ =	strace $0x8000004A  }
0xc: {  	s11 =	ssub.s32 $0x2, s7;
	s12 =	smul.u32 $0x50000, s4;
	s7 =	sadd.s32 $0x2600, s8  }
0xd: {  	s31 =	sshll.u32 s4, $0x6;
	s9 =	sor.u32 s4, s6;
	s6 =	sadd.s32 $0x4E00, s8  }
0xe: {  	s29 =	sshrl.u32 s11, $0x1;
	s10 =	smul.u32 $0x2800, s9;
	s30 =	sshrl.u32 s12, $0x2  }
0xf: {  	s11 =	ssub.s32 s11, s29;
	s9 =	smul.u32 $0xA0, s9;
	s13 =	sadd.s32 s30, s3  }
0x10: {  	s11 =	smax.u32 s11, $0x1;
	s10 =	sadd.s32 s10, s8;
	s8 =	sor.u32 $0x1C05, s31  }
0x11: {  	s12 =	sshrl.u32 s13, $0x3;
	s13 =	simm.s32 $0x5;
	s10 =	sadd.s32 $0xA3000, s10  }
.LBB2_1:
0x12: {  	[spmem:s12], [sflag:s8] =	dma.local [hbm:s7], $0x2800  }
0x13: {  	_ =	swait.ge [sflag:s13], $0x2800  }
0x14: {  	[sflag:s13] =	ssyncset.done $0x0  }
0x15: {  	[sflag:s13] =	ssyncadd.s32 $0xFFFFD800  }
0x16: {  	s29 =	simm.s32 $0x0;
	[bflag:$0x0] =	sbarrier.arrive $0xFFFF  }
.LBB2_2:
0x17: {  	s30 =	smul.u32 $0x28, s29;
	_ =	sdelay $0x1  }
0x18: {  	s30 =	sadd.s32 s9, s30  }
0x19: {  	s30 =	sshll.u32 s30, $0x4  }
0x1a: {  	s0 =	simm.s32 $0x0;
	s31 =	sadd.s32 s1, s30  }
0x1b: {  	[tilespmem:s0], [sflag:$0x5] =	stream.linear.gather [hbm4b:s31+s0], $0x1400, $0x38;
	[tilespmem:$0x1E800] =	vst v63  }
0x1c: {  	_ =	swait.ge [sflag:s13], $0x1400  }
0x1d: {  	[sflag:s13] =	ssyncset.done $0x0  }
0x1e: {  	s30 =	sadd.s32 s2, s30;
	[sflag:s13] =	ssyncadd.s32 $0xFFFFEC00  }
0x1f: {  	[tilespmem:s14], [sflag:$0x5] =	stream.linear.gather [hbm4b:s30+s0], $0x1400, $0x38;
	[tilespmem:$0x1E800] =	vst v63  }
0x20: {  	_ =	swait.ge [sflag:s13], $0x1400  }
0x21: {  	[sflag:s13] =	ssyncset.done $0x0  }
0x22: {  	[sflag:s13] =	ssyncadd.s32 $0xFFFFEC00  }
0x23: {  	[tilespmem:s16], [sflag:$0x1] =	stream.indirect.gather [hbm4b:s6+s15], $0x80, s0, s15, $0xb8;
	[tilespmem:$0x1E800] =	vst v63  }
0x24: {  	_ = 	snop  }
0x25: {  	[tilespmem:s17], [sflag:$0x1] =	stream.indirect.gather [hbm4b:s6+s15], $0x80, s15, s15, $0xb8;
	[tilespmem:$0x1E800] =	vst v63  }
0x26: {  	_ = 	snop  }
0x27: {  	[tilespmem:s19], [sflag:$0x2] =	stream.indirect.gather [hbm4b:s6+s15], $0x80, s18, s15, $0xb8;
	[tilespmem:$0x1E800] =	vst v63  }
0x28: {  	_ = 	snop  }
0x29: {  	[tilespmem:s21], [sflag:$0x2] =	stream.indirect.gather [hbm4b:s6+s15], $0x80, s20, s15, $0xb8;
	[tilespmem:$0x1E800] =	vst v63  }
0x2a: {  	_ =	swait.ge [sflag:s22], $0x2000  }
0x2b: {  	[sflag:s22] =	ssyncset.done $0x0  }
0x2c: {  	[sflag:s22] =	ssyncadd.s32 $0xFFFFE000  }
0x2d: {  	_ =	swait.ge [sflag:s22], $0x2000  }
0x2e: {  	[sflag:s22] =	ssyncset.done $0x0  }
0x2f: {  	s0 =	simm.s32 $0x1400;
	[sflag:s22] =	ssyncadd.s32 $0xFFFFE000  }
0x30: {  	[spmem:s3] =	stream.indirect.scatter.add.f32 [tilespmem:s16], [sflag:$0x3], $0x80, s0, s18, $0xb8;
	[tilespmem:$0x1E800] =	vst v63  }
0x31: {  	_ =	swait.ge [sflag:s23], $0x4000  }
0x32: {  	[sflag:s23] =	ssyncset.done $0x0  }
0x33: {  	s0 =	simm.s32 $0x100;
	[sflag:s23] =	ssyncadd.s32 $0xFFFFC000  }
0x34: {  	[tilespmem:s16], [sflag:$0x1] =	stream.indirect.gather [hbm4b:s6+s15], $0x80, s0, s15, $0xb8;
	[tilespmem:$0x1E800] =	vst v63  }
0x35: {  	s0 =	simm.s32 $0x140  }
0x36: {  	[tilespmem:s17], [sflag:$0x1] =	stream.indirect.gather [hbm4b:s6+s15], $0x80, s0, s15, $0xb8;
	[tilespmem:$0x1E800] =	vst v63  }
0x37: {  	_ =	swait.ge [sflag:s24], $0x2000  }
0x38: {  	[sflag:s24] =	ssyncset.done $0x0  }
0x39: {  	[sflag:s24] =	ssyncadd.s32 $0xFFFFE000  }
0x3a: {  	_ =	swait.ge [sflag:s24], $0x2000  }
0x3b: {  	[sflag:s24] =	ssyncset.done $0x0  }
0x3c: {  	s0 =	simm.s32 $0x1480;
	[sflag:s24] =	ssyncadd.s32 $0xFFFFE000  }
0x3d: {  	[spmem:s3] =	stream.indirect.scatter.add.f32 [tilespmem:s19], [sflag:$0x4], $0x80, s0, s18, $0xb8;
	[tilespmem:$0x1E800] =	vst v63  }
0x3e: {  	_ =	swait.ge [sflag:s25], $0x4000  }
0x3f: {  	s31 =	simm.s32 $0x1C0;
	[sflag:s25] =	ssyncset.done $0x0  }
0x40: {  	s30 =	simm.s32 $0x400;
	s0 =	simm.s32 $0x180;
	[sflag:s25] =	ssyncadd.s32 $0xFFFFC000  }
0x41: {  	[tilespmem:s19], [sflag:$0x2] =	stream.indirect.gather [hbm4b:s6+s15], $0x80, s0, s15, $0xb8;
	[tilespmem:$0x1E800] =	vst v63  }
.LBB2_3:
0x42: {  	[tilespmem:s21], [sflag:$0x2] =	stream.indirect.gather [hbm4b:s6+s15], $0x80, s31, s15, $0xb8;
	[tilespmem:$0x1E800] =	vst v63  }
0x43: {  	s0 =	smov.u32 s30  }
0x44: {  	p0 =	sne.s32 s30, $0x4800;
	s30 =	sadd.s32 $0x400, s30;
	_ =	swait.ge [sflag:s22], $0x2000  }
0x45: {  	[sflag:s22] =	ssyncset.done $0x0  }
0x46: {  	[sflag:s22] =	ssyncadd.s32 $0xFFFFE000  }
0x47: {  	_ =	swait.ge [sflag:s22], $0x2000  }
0x48: {  	s0 =	sshra.s32 s0, $0x2;
	[sflag:s22] =	ssyncset.done $0x0  }
0x49: {  	s31 =	sadd.s32 $0x1400, s0;
	[sflag:s22] =	ssyncadd.s32 $0xFFFFE000  }
0x4a: {  	[spmem:s3] =	stream.indirect.scatter.add.f32 [tilespmem:s16], [sflag:$0x3], $0x80, s31, s18, $0xb8;
	[tilespmem:$0x1E800] =	vst v63  }
0x4b: {  	_ =	swait.ge [sflag:s23], $0x4000  }
0x4c: {  	[sflag:s23] =	ssyncset.done $0x0  }
0x4d: {  	s31 =	sadd.s32 $0x100, s0;
	[sflag:s23] =	ssyncadd.s32 $0xFFFFC000  }
0x4e: {  	[tilespmem:s16], [sflag:$0x1] =	stream.indirect.gather [hbm4b:s6+s15], $0x80, s31, s15, $0xb8;
	[tilespmem:$0x1E800] =	vst v63  }
0x4f: {  	s31 =	sadd.s32 $0x140, s0  }
0x50: {  	[tilespmem:s17], [sflag:$0x1] =	stream.indirect.gather [hbm4b:s6+s15], $0x80, s31, s15, $0xb8;
	[tilespmem:$0x1E800] =	vst v63  }
0x51: {  	_ =	swait.ge [sflag:s24], $0x2000  }
0x52: {  	[sflag:s24] =	ssyncset.done $0x0  }
0x53: {  	[sflag:s24] =	ssyncadd.s32 $0xFFFFE000  }
0x54: {  	_ =	swait.ge [sflag:s24], $0x2000  }
0x55: {  	[sflag:s24] =	ssyncset.done $0x0  }
0x56: {  	s31 =	sadd.s32 $0x1480, s0;
	[sflag:s24] =	ssyncadd.s32 $0xFFFFE000  }
0x57: {  	[spmem:s3] =	stream.indirect.scatter.add.f32 [tilespmem:s19], [sflag:$0x4], $0x80, s31, s18, $0xb8;
	[tilespmem:$0x1E800] =	vst v63  }
.Ltmp0:
0x58: {  	_ =	swait.ge [sflag:s25], $0x4000;
	(pc) =	sbr.rel @p0 .LBB2_3-.Ltmp0, $4  }
0x59: {  	[sflag:s25] =	ssyncset.done $0x0  }
0x5a: {  	s31 =	sadd.s32 $0x180, s0;
	[sflag:s25] =	ssyncadd.s32 $0xFFFFC000  }
0x5b: {  	[tilespmem:s19], [sflag:$0x2] =	stream.indirect.gather [hbm4b:s6+s15], $0x80, s31, s15, $0xb8;
	[tilespmem:$0x1E800] =	vst v63  }
0x5c: {  	s31 =	sadd.s32 $0x1C0, s0  }
0x5d: {  	[tilespmem:s21], [sflag:$0x2] =	stream.indirect.gather [hbm4b:s6+s15], $0x80, s31, s15, $0xb8;
	[tilespmem:$0x1E800] =	vst v63  }
0x5e: {  	_ =	swait.ge [sflag:s22], $0x2000  }
0x5f: {  	[sflag:s22] =	ssyncset.done $0x0  }
0x60: {  	[sflag:s22] =	ssyncadd.s32 $0xFFFFE000  }
0x61: {  	_ =	swait.ge [sflag:s22], $0x2000  }
0x62: {  	[sflag:s22] =	ssyncset.done $0x0  }
0x63: {  	[sflag:s22] =	ssyncadd.s32 $0xFFFFE000  }
0x64: {  	[spmem:s3] =	stream.indirect.scatter.add.f32 [tilespmem:s16], [sflag:$0x3], $0x80, s26, s18, $0xb8;
	[tilespmem:$0x1E800] =	vst v63  }
0x65: {  	_ =	swait.ge [sflag:s24], $0x2000  }
0x66: {  	[sflag:s24] =	ssyncset.done $0x0  }
0x67: {  	[sflag:s24] =	ssyncadd.s32 $0xFFFFE000  }
0x68: {  	_ =	swait.ge [sflag:s24], $0x2000  }
0x69: {  	[sflag:s24] =	ssyncset.done $0x0  }
0x6a: {  	s29 =	sadd.s32 $0x1, s29;
	[sflag:s24] =	ssyncadd.s32 $0xFFFFE000  }
0x6b: {  	[spmem:s3] =	stream.indirect.scatter.add.f32 [tilespmem:s19], [sflag:$0x4], $0x80, s28, s18, $0xb8;
	[tilespmem:$0x1E800] =	vst v63  }
0x6c: {  	p0 =	sne.s32 s29, $0x4;
	_ =	swait.ge [sflag:s23], $0x4000  }
.Ltmp1:
0x6d: {  	[sflag:s23] =	ssyncset.done $0x0;
	(pc) =	sbr.rel @p0 .LBB2_2-.Ltmp1, $4  }
0x6e: {  	[sflag:s23] =	ssyncadd.s32 $0xFFFFC000  }
0x6f: {  	_ =	swait.ge [sflag:s25], $0x4000  }
0x70: {  	[sflag:s25] =	ssyncset.done $0x0  }
0x71: {  	[sflag:s25] =	ssyncadd.s32 $0xFFFFC000  }
0x72: {  	s5 =	sadd.s32 $0x1, s5  }
0x73: {  	p0 =	sne.s32 s5, s11  }
.Ltmp2:
0x74: {  	[bflag:$0x0] =	sbarrier.arrive $0xFFFF;
	(pc) =	sbr.rel @p0 .LBB2_1-.Ltmp2, $4  }
0x75: {  	[hbm:s10], [sflag:s8] =	dma.local [spmem:s12], $0x2800  }
0x76: {  	_ =	swait.ge [sflag:s13], $0x2800  }
0x77: {  	[sflag:s13] =	ssyncset.done $0x0  }
0x78: {  	[sflag:s13] =	ssyncadd.s32 $0xFFFFD800  }
0x79: {  	_ =	sfence.sel $0x180000  }
0x7a: {  	[bflag:$0x0] =	sbarrier.arrive $0xFFFF  }
0x7b: {  	_ =	strace $0x9000004A  }
0x7c: {  	[bflag:$0x2] =	sbarrier.arrive $0xFFFF  }
0x7d: {  	p0 =	sne.s32 s4, $0x0;
	s0 =	rddreg [dreg:$0x4]  }
0x7e: {  	s0 =	sadd.s32 @!p0 $0x100000, s0  }
0x7f: {  	[sflag:s0] =	ssyncadd.tile.s32 @!p0 $0x1;
	_ =	shalt  }
.Lfunc_end2:
_tile_overlayer_lowered:
.L_overlay_start_2:
0x80: {  	(tag) =	ssettag $0x2  }
0x81: {  	s0 =	rddreg [dreg:$0x0];
	s2 =	stileid.u32  }
0x82: {  	s1 =	rddreg [dreg:$0x1];
	p0 =	sne.s32 s2, $0x0  }
0x83: {  	s3 =	rddreg [dreg:$0x2];
	[bflag:$0x3] =	sbarrier.arrive $0xFFFF;
	s2 =	simm.s32 @!p0 $0x1C05  }
0x84: {  	[timem:s3], [sflag:s2] =	dma.local @!p0 [hbm:s0], s1  }
0x85: {  	s0 =	simm.s32 @!p0 $0x5  }
0x86: {  	_ =	swait.ge @!p0 [sflag:s0], s1  }
0x87: {  	s1 =	ssub.s32 @!p0 $0x0, s1;
	[sflag:s0] =	ssyncset.done @!p0 $0x0  }
0x88: {  	[sflag:s0] =	ssyncadd.s32 @!p0 s1  }
0x89: {  	[bflag:$0x3] =	sbarrier.arrive $0xFFFF  }
0x8a: {  	_ =	shalt  }

// kernel: kernel.14.cloned.1.call-start
scs
__scs_entry_jumppad:
0x0: {  	(pc) =	sbr.rel $0x88, $3  }
0x1: {  	(tag) =	ssettag $0x0;
	lr =	simm.s32 $0x1  }
0x2: {  	[smem:$0x3F99] =	sst lr;
	_ =	strace $0xD0000000  }
0x3: {  	_ = 	snop  }
0x4: {  	_ = 	snop  }
0x5: {  	_ = 	snop  }
0x6: {  	_ = 	snop  }
0x7: {  	_ = 	snop  }
__scs_overlays_trampoline_lowered:
0x8: {  	[smem:$0x3FA8] =	sst s0  }
0x9: {  	[smem:$0x3FA9] =	sst s1  }
0xa: {  	[smem:$0x3FAA] =	sst s2  }
0xb: {  	[smem:$0x3FAB] =	sst s3  }
0xc: {  	[smem:$0x3FAC] =	sst s4  }
0xd: {  	[smem:$0x3FAD] =	sst s5  }
0xe: {  	[smem:$0x3FAE] =	sst s6  }
0xf: {  	[smem:$0x3FAF] =	sst s7  }
0x10: {  	[smem:$0x3FB0] =	sst s8  }
0x11: {  	[smem:$0x3FB1] =	sst s9;
	s0 =	simm.s32 @!p0 $0x0  }
0x12: {  	s1 =	sld [smem:$0x3F97];
	s0 =	simm.s32 @p0 $0x1  }
0x13: {  	[smem:$0x3FB2] =	sst s0;
	s0 =	simm.s32 @!p1 $0x0  }
0x14: {  	s2 =	sld [smem:$0x3F96];
	s0 =	simm.s32 @p1 $0x1  }
0x15: {  	[smem:$0x3FB3] =	sst s0;
	s0 =	simm.s32 @!p2 $0x0  }
0x16: {  	s3 =	sld [smem:$0x3FDB];
	s0 =	simm.s32 @p2 $0x1  }
0x17: {  	s4 =	simm.s32 $0x1BF5;
	[smem:$0x3FB5] =	sst s0  }
0x18: {  	s0 =	sld [smem:$0x3F98];
	_ =	swait.ge [sflag:s4], $0x0  }
0x19: {  	s7 =	sld [smem:$0x3F99]  }
0x1a: {  	s8 =	sadd.s32 $0xFFFFE003, lr  }
0x1b: {  	s9 =	sadd.s32 $0xFFFFFEF7, lr;
	s5 =	simm.s32 $0xFFFFFFFF;
	p2 =	slt.u32 s8, $0xFFFFF086  }
0x1c: {  	p1 =	slt.u32 s9, $0xF7A;
	s5 =	simm.s32 @!p2 $0x0  }
0x1d: {  	s5 =	simm.s32 @p1 $0x1;
	p0 =	seq.s32 s7, s2  }
0x1e: {  	s7 =	smul.u32 @!p0 $0xF7A, s2;
	p2 =	seq.s32 @!p0 s5, $0x0  }
0x1f: {  	s9 =	smul.u32 $0xF7A, s1;
	s8 =	simm.s32 @!p0 $0x1BF5;
	p2 =	por !p2, p0  }
0x20: {  	[sflag:s8] =	ssyncset.s32 @!p0 $0xFFFFF086;
	s6 =	sadd.s32 @!p0 s3, s7;
	s7 =	simm.s32 @!p0 $0x108  }
0x21: {  	s3 =	sadd.s32 s3, s9;
	s6 =	sadd.s32 @!p0 $0x88, s6;
	s7 =	simm.s32 @p2 $0x1082  }
0x22: {  	[simem:s7], [sflag:s8] =	dma.local @!p0 [hbm:s6], $0xF7A  }
0x23: {  	s9 =	sor.u32 $0xD0000000, s2;
	s6 =	simm.s32 $0x108;
	_ =	swait.ge @!p0 [sflag:s8], $0x0  }
0x24: {  	s3 =	sadd.s32 $0x88, s3;
	s6 =	simm.s32 @!p1 $0x1082;
	[sflag:s4] =	ssyncset.s32 $0xFFFFF086  }
0x25: {  	[simem:s6], [sflag:s4] =	dma.local [hbm:s3], $0xF7A  }
0x26: {  	[smem:$0x3F99] =	sst s1;
	(tag) =	ssettag s2;
	_ =	strace s9  }
0x27: {  	s1 =	sld [smem:$0x3FA9]  }
0x28: {  	s2 =	sld [smem:$0x3FAA]  }
0x29: {  	s4 =	sld [smem:$0x3FAC]  }
0x2a: {  	p0 =	seq.s32 s5, $0x0;
	s5 =	sld [smem:$0x3FAD]  }
0x2b: {  	s6 =	sld [smem:$0x3FAE]  }
0x2c: {  	s7 =	sld [smem:$0x3FAF]  }
0x2d: {  	s3 =	simm.s32 $0x108;
	s8 =	sld [smem:$0x3FB0]  }
0x2e: {  	s3 =	simm.s32 @!p0 $0x1082;
	s9 =	sld [smem:$0x3FB1]  }
0x2f: {  	lr =	sadd.s32 s0, s3;
	s0 =	sld [smem:$0x3FA8]  }
0x30: {  	s3 =	sld [smem:$0x3FAB]  }
0x31: {  	[smem:$0x3FB4] =	sst s10  }
0x32: {  	s10 =	sld [smem:$0x3FB2];
	_ =	sdelay $0x3  }
0x33: {  	p0 =	seq.s32 s10, $0x1;
	s10 =	sld [smem:$0x3FB4];
	_ =	sdelay $0x3  }
0x34: {  	[smem:$0x3FB4] =	sst s10  }
0x35: {  	s10 =	sld [smem:$0x3FB3];
	_ =	sdelay $0x3  }
0x36: {  	p1 =	seq.s32 s10, $0x1;
	s10 =	sld [smem:$0x3FB4];
	_ =	sdelay $0x3  }
0x37: {  	[smem:$0x3FB4] =	sst s10  }
0x38: {  	s10 =	sld [smem:$0x3FB5]  }
0x39: {  	_ = 	snop;
	(pc) =	sbr.ind lr, $3  }
0x3a: {  	_ = 	snop  }
0x3b: {  	_ = 	snop  }
0x3c: {  	p2 =	seq.s32 s10, $0x1;
	s10 =	sld [smem:$0x3FB4]  }
0x3d: {  	_ =	shalt  }
0x3e: {  	_ =	shalt  }
0x3f: {  	_ =	shalt  }
0x40: {  	_ =	shalt  }
0x41: {  	_ =	shalt  }
0x42: {  	_ =	shalt  }
0x43: {  	_ =	shalt  }
0x44: {  	_ =	shalt  }
0x45: {  	_ =	shalt  }
0x46: {  	_ =	shalt  }
0x47: {  	_ =	shalt  }
0x48: {  	_ =	shalt  }
0x49: {  	_ =	shalt  }
0x4a: {  	_ =	shalt  }
0x4b: {  	_ =	shalt  }
0x4c: {  	_ =	shalt  }
0x4d: {  	_ =	shalt  }
0x4e: {  	_ =	shalt  }
0x4f: {  	_ =	shalt  }
0x50: {  	_ =	shalt  }
0x51: {  	_ =	shalt  }
0x52: {  	_ =	shalt  }
0x53: {  	_ =	shalt  }
0x54: {  	_ =	shalt  }
0x55: {  	_ =	shalt  }
0x56: {  	_ =	shalt  }
0x57: {  	_ =	shalt  }
0x58: {  	_ =	shalt  }
0x59: {  	_ =	shalt  }
0x5a: {  	_ =	shalt  }
0x5b: {  	_ =	shalt  }
0x5c: {  	_ =	shalt  }
0x5d: {  	_ =	shalt  }
0x5e: {  	_ =	shalt  }
0x5f: {  	_ =	shalt  }
0x60: {  	_ =	shalt  }
0x61: {  	_ =	shalt  }
0x62: {  	_ =	shalt  }
0x63: {  	_ =	shalt  }
0x64: {  	_ =	shalt  }
0x65: {  	_ =	shalt  }
0x66: {  	_ =	shalt  }
0x67: {  	_ =	shalt  }
0x68: {  	_ =	shalt  }
0x69: {  	_ =	shalt  }
0x6a: {  	_ =	shalt  }
0x6b: {  	_ =	shalt  }
0x6c: {  	_ =	shalt  }
0x6d: {  	_ =	shalt  }
0x6e: {  	_ =	shalt  }
0x6f: {  	_ =	shalt  }
0x70: {  	_ =	shalt  }
0x71: {  	_ =	shalt  }
0x72: {  	_ =	shalt  }
0x73: {  	_ =	shalt  }
0x74: {  	_ =	shalt  }
0x75: {  	_ =	shalt  }
0x76: {  	_ =	shalt  }
0x77: {  	_ =	shalt  }
0x78: {  	_ =	shalt  }
0x79: {  	_ =	shalt  }
0x7a: {  	_ =	shalt  }
0x7b: {  	_ =	shalt  }
0x7c: {  	_ =	shalt  }
0x7d: {  	_ =	shalt  }
0x7e: {  	_ =	shalt  }
0x7f: {  	_ =	shalt  }
0x80: {  	_ =	shalt  }
0x81: {  	_ =	shalt  }
0x82: {  	_ =	shalt  }
0x83: {  	_ =	shalt  }
0x84: {  	_ =	shalt  }
0x85: {  	_ =	shalt  }
0x86: {  	_ =	shalt  }
0x87: {  	_ =	shalt  }
.Lfunc_end0:
.L_simem_size_0:
called_computation.2_lowered:
.L_overlay_start_0:
0x88: {  	s2 =	sld [smem:$0x3FD9]  }
0x89: {  	s3 =	sld [smem:$0x3FFE];
	_ =	sdelay $0x1  }
0x8a: {  	s1 =	srdreg.scid  }
0x8b: {  	s0 =	sand.u32 $0x1, s1  }
0x8c: {  	s14 =	sshll.u32 s0, $0xA;
	s2 =	sadd.s32 s3, s2  }
0x8d: {  	s2 =	sadd.s32 s2, s14  }
0x8e: {  	[smem:$0x3FC0] =	sst s2  }
0x8f: {  	_ = 	snop  }
0x90: {  	s2 =	sld [smem:$0x3FD0];
	_ =	sdelay $0x2  }
0x91: {  	s15 =	simm.s32 $0xA;
	s4 =	simm.s32 $0x10  }
0x92: {  	[smem:s4], [sflag:s15] =	dma.local [hbm:s2], $0x1  }
0x93: {  	_ =	swait.eq [sflag:s15], $0x1  }
0x94: {  	[sflag:s15] =	ssyncset.done $0x0  }
0x95: {  	s16 =	sld [smem:$0x10];
	[sflag:s15] =	ssyncadd.s32 $0xFFFFFFFF  }
0x96: {  	s17 =	sld [smem:$0x11];
	(tm) =	ssettm $0x1  }
0x97: {  	s18 =	sld [smem:$0x3FFB];
	_ =	sdelay $0x3  }
0x98: {  	_ =	strace s18  }
0x99: {  	s4 =	sld [smem:$0x3FFC];
	_ =	sdelay $0x3  }
0x9a: {  	_ =	strace s4  }
0x9b: {  	s4 =	sld [smem:$0x3FFD];
	_ =	sdelay $0x3  }
0x9c: {  	_ =	strace s4  }
0x9d: {  	_ =	strace $0x8FFFFFFF  }
0x9e: {  	s19 =	sld [smem:$0x3FDB];
	_ =	sdelay $0x1  }
0x9f: {  	s5 =	simm.s32 $_scs_section_size  }
0xa0: {  	s6 =	simm.s32 $_size__tile_overlayer_lowered;
	s7 =	simm.s32 $_tile_overlayer_lowered  }
0xa1: {  	s22 =	simm.s32 $0x1BFF;
	s21 =	sshll.u32 s7, $0x1;
	s4 =	sadd.s32 s5, s19  }
0xa2: {  	s8 =	simm.s32 $0x0;
	s20 =	sshll.u32 s6, $0x1;
	s6 =	sadd.s32 s21, s4  }
0xa3: {  	[timem:s8], [sflag:s22] =	dma.local [hbm:s6], s20  }
0xa4: {  	_ =	swait.ge [sflag:s22], s20  }
0xa5: {  	s5 =	ssub.s32 $0x0, s20;
	[sflag:s22] =	ssyncset.done $0x0  }
0xa6: {  	[sflag:s22] =	ssyncadd.s32 s5;
	_ =	sdelay $0x1  }
0xa7: {  	s23 =	simm.s32 $0x1B8B  }
0xa8: {  	_ =	swait.ge [sflag:s23], $0x1  }
0xa9: {  	[sflag:s23] =	ssyncset.done $0x0  }
0xaa: {  	s25 =	simm.s32 $0x1B8E;
	s24 =	sld [smem:$0x3FFE];
	[sflag:s23] =	ssyncadd.s32 $0xFFFFFFFF  }
0xab: {  	s26 =	simm.s32 $execute0_lowered;
	[smem:$0x3FD2] =	sst s25  }
0xac: {  	s6 =	sshll.u32 s26, $0x1;
	_ =	strace $0x8000004C;
	[dreg:$0x1] =	wrdreg $0xFFFFFFFF  }
0xad: {  	s28 =	simm.s32 $_size_execute0_lowered;
	s4 =	sadd.s32 s4, s6;
	[dreg:$0x0] =	wrdreg $0x0  }
0xae: {  	s6 =	sshll.u32 s28, $0x1;
	[dreg:$0x2] =	wrdreg s4  }
0xaf: {  	[dreg:$0x3] =	wrdreg s6  }
0xb0: {  	[dreg:$0x4] =	wrdreg $0xC0  }
0xb1: {  	_ =	task [dreg:s8], $0x5FFFF  }
0xb2: {  	[dreg:$0x1] =	wrdreg $0xFFFFFFFF  }
0xb3: {  	[dreg:$0x0] =	wrdreg $0x60  }
0xb4: {  	[dreg:$0x2] =	wrdreg s24  }
0xb5: {  	[dreg:$0x3] =	wrdreg s17  }
0xb6: {  	[dreg:$0x4] =	wrdreg s16  }
0xb7: {  	[dreg:$0x5] =	wrdreg $0xA8000  }
0xb8: {  	[dreg:$0x6] =	wrdreg $0x9  }
0xb9: {  	_ =	task.clear_ibuf [dreg:s8], $0x7FFFF;
	_ =	strace $0x9000004C  }
0xba: {  	s29 =	simm.s32 $0x9;
	_ =	strace $0x8000004E  }
0xbb: {  	_ =	swait.ge [sflag:s29], $0x1  }
0xbc: {  	[sflag:s29] =	ssyncadd.s32 $0xFFFFFFFF  }
0xbd: {  	_ =	strace $0x9000004E  }
0xbe: {  	_ =	sfence  }
0xbf: {  	s30 =	sld [smem:$0x0];
	_ =	sdelay $0x2  }
0xc0: {  	s31 =	sshll.u32 s1, $0xD;
	s1 =	sshrl.u32 s1, $0x2  }
0xc1: {  	s3 =	sand.u32 $0x4000, s31;
	s1 =	sadd.s32 s1, s30  }
0xc2: {  	s0 =	sor.u32 s3, s0;
	s1 =	sshll.u32 s1, $0x11  }
0xc3: {  	s0 =	sor.u32 s1, s0  }
0xc4: {  	s0 =	sadd.s32 $0x8F2B, s0  }
0xc5: {  	[sflag:s0] =	ssyncadd.remote.s32 $0x1  }
0xc6: {  	_ =	sfence.sel $0xFFFF  }
0xc7: {  	[dreg:$0x0] =	wrdreg $0xFFFFFFFF;
	(pc) =	sbr.abs _section_cstart, $3  }
0xc8: {  	[dreg:$0x1] =	wrdreg $0xFFFFFFFF  }
0xc9: {  	_ =	task.clear_ibuf [dreg:s8], $0x2FFFF;
	_ =	strace $0x9FFFFFFF  }
0xca: {  	(tm) =	ssettm $0x7FFFFFFF  }
0xcb: {  	_ =	shalt  }
tec
execute0_lowered:
.L_overlay_start_1:
0x0: {  	(tag) =	ssettag $0x1  }
0x1: {  	s8 =	rddreg [dreg:$0x0]  }
0x2: {  	s1 =	rddreg [dreg:$0x1]  }
0x3: {  	s2 =	rddreg [dreg:$0x2]  }
0x4: {  	s3 =	rddreg [dreg:$0x3]  }
0x5: {  	s4 =	srdreg.scid;
	s5 =	simm.s32 $0x0;
	s14 =	simm.s32 $0x1400  }
0x6: {  	s15 =	simm.s32 $0x40;
	s16 =	simm.s32 $0x2800;
	s17 =	simm.s32 $0x4800  }
0x7: {  	s18 =	simm.s32 $0x80;
	s19 =	simm.s32 $0x6800;
	s20 =	simm.s32 $0xC0  }
0x8: {  	s21 =	simm.s32 $0x8800;
	s22 =	simm.s32 $0x1;
	s23 =	simm.s32 $0x3  }
0x9: {  	s24 =	simm.s32 $0x2;
	s25 =	simm.s32 $0x4;
	s26 =	simm.s32 $0x2700  }
0xa: {  	s28 =	simm.s32 $0x2780;
	s7 =	sand.u32 $0x1, s4;
	[smem:$0x7FF] =	sst s5  }
0xb: {  	s4 =	stileid.u32;
	s6 =	sshll.u32 s7, $0x4;
	_ =	strace $0x8000004D  }
0xc: {  	s11 =	ssub.s32 $0x2, s7;
	s12 =	smul.u32 $0x50000, s4;
	s7 =	sadd.s32 $0x2600, s8  }
0xd: {  	s31 =	sshll.u32 s4, $0x6;
	s9 =	sor.u32 s4, s6;
	s6 =	sadd.s32 $0x4E00, s8  }
0xe: {  	s29 =	sshrl.u32 s11, $0x1;
	s10 =	smul.u32 $0x2800, s9;
	s30 =	sshrl.u32 s12, $0x2  }
0xf: {  	s11 =	ssub.s32 s11, s29;
	s9 =	smul.u32 $0xA0, s9;
	s13 =	sadd.s32 s30, s3  }
0x10: {  	s11 =	smax.u32 s11, $0x1;
	s10 =	sadd.s32 s10, s8;
	s8 =	sor.u32 $0x1C05, s31  }
0x11: {  	s12 =	sshrl.u32 s13, $0x3;
	s13 =	simm.s32 $0x5;
	s10 =	sadd.s32 $0xA3000, s10  }
.LBB2_1:
0x12: {  	[spmem:s12], [sflag:s8] =	dma.local [hbm:s7], $0x2800  }
0x13: {  	_ =	swait.ge [sflag:s13], $0x2800  }
0x14: {  	[sflag:s13] =	ssyncset.done $0x0  }
0x15: {  	[sflag:s13] =	ssyncadd.s32 $0xFFFFD800  }
0x16: {  	s29 =	simm.s32 $0x0;
	[bflag:$0x0] =	sbarrier.arrive $0xFFFF  }
.LBB2_2:
0x17: {  	s30 =	smul.u32 $0x28, s29;
	_ =	sdelay $0x1  }
0x18: {  	s30 =	sadd.s32 s9, s30  }
0x19: {  	s30 =	sshll.u32 s30, $0x4  }
0x1a: {  	s0 =	simm.s32 $0x0;
	s31 =	sadd.s32 s1, s30  }
0x1b: {  	[tilespmem:s0], [sflag:$0x5] =	stream.linear.gather [hbm4b:s31+s0], $0x1400, $0x38;
	[tilespmem:$0x1E800] =	vst v63  }
0x1c: {  	_ =	swait.ge [sflag:s13], $0x1400  }
0x1d: {  	[sflag:s13] =	ssyncset.done $0x0  }
0x1e: {  	s30 =	sadd.s32 s2, s30;
	[sflag:s13] =	ssyncadd.s32 $0xFFFFEC00  }
0x1f: {  	[tilespmem:s14], [sflag:$0x5] =	stream.linear.gather [hbm4b:s30+s0], $0x1400, $0x38;
	[tilespmem:$0x1E800] =	vst v63  }
0x20: {  	_ =	swait.ge [sflag:s13], $0x1400  }
0x21: {  	[sflag:s13] =	ssyncset.done $0x0  }
0x22: {  	[sflag:s13] =	ssyncadd.s32 $0xFFFFEC00  }
0x23: {  	[tilespmem:s16], [sflag:$0x1] =	stream.indirect.gather [hbm4b:s6+s15], $0x80, s0, s15, $0xb8;
	[tilespmem:$0x1E800] =	vst v63  }
0x24: {  	_ = 	snop  }
0x25: {  	[tilespmem:s17], [sflag:$0x1] =	stream.indirect.gather [hbm4b:s6+s15], $0x80, s15, s15, $0xb8;
	[tilespmem:$0x1E800] =	vst v63  }
0x26: {  	_ = 	snop  }
0x27: {  	[tilespmem:s19], [sflag:$0x2] =	stream.indirect.gather [hbm4b:s6+s15], $0x80, s18, s15, $0xb8;
	[tilespmem:$0x1E800] =	vst v63  }
0x28: {  	_ = 	snop  }
0x29: {  	[tilespmem:s21], [sflag:$0x2] =	stream.indirect.gather [hbm4b:s6+s15], $0x80, s20, s15, $0xb8;
	[tilespmem:$0x1E800] =	vst v63  }
0x2a: {  	_ =	swait.ge [sflag:s22], $0x2000  }
0x2b: {  	[sflag:s22] =	ssyncset.done $0x0  }
0x2c: {  	[sflag:s22] =	ssyncadd.s32 $0xFFFFE000  }
0x2d: {  	_ =	swait.ge [sflag:s22], $0x2000  }
0x2e: {  	[sflag:s22] =	ssyncset.done $0x0  }
0x2f: {  	s0 =	simm.s32 $0x1400;
	[sflag:s22] =	ssyncadd.s32 $0xFFFFE000  }
0x30: {  	[spmem:s3] =	stream.indirect.scatter.add.f32 [tilespmem:s16], [sflag:$0x3], $0x80, s0, s18, $0xb8;
	[tilespmem:$0x1E800] =	vst v63  }
0x31: {  	_ =	swait.ge [sflag:s23], $0x4000  }
0x32: {  	[sflag:s23] =	ssyncset.done $0x0  }
0x33: {  	s0 =	simm.s32 $0x100;
	[sflag:s23] =	ssyncadd.s32 $0xFFFFC000  }
0x34: {  	[tilespmem:s16], [sflag:$0x1] =	stream.indirect.gather [hbm4b:s6+s15], $0x80, s0, s15, $0xb8;
	[tilespmem:$0x1E800] =	vst v63  }
0x35: {  	s0 =	simm.s32 $0x140  }
0x36: {  	[tilespmem:s17], [sflag:$0x1] =	stream.indirect.gather [hbm4b:s6+s15], $0x80, s0, s15, $0xb8;
	[tilespmem:$0x1E800] =	vst v63  }
0x37: {  	_ =	swait.ge [sflag:s24], $0x2000  }
0x38: {  	[sflag:s24] =	ssyncset.done $0x0  }
0x39: {  	[sflag:s24] =	ssyncadd.s32 $0xFFFFE000  }
0x3a: {  	_ =	swait.ge [sflag:s24], $0x2000  }
0x3b: {  	[sflag:s24] =	ssyncset.done $0x0  }
0x3c: {  	s0 =	simm.s32 $0x1480;
	[sflag:s24] =	ssyncadd.s32 $0xFFFFE000  }
0x3d: {  	[spmem:s3] =	stream.indirect.scatter.add.f32 [tilespmem:s19], [sflag:$0x4], $0x80, s0, s18, $0xb8;
	[tilespmem:$0x1E800] =	vst v63  }
0x3e: {  	_ =	swait.ge [sflag:s25], $0x4000  }
0x3f: {  	s31 =	simm.s32 $0x1C0;
	[sflag:s25] =	ssyncset.done $0x0  }
0x40: {  	s30 =	simm.s32 $0x400;
	s0 =	simm.s32 $0x180;
	[sflag:s25] =	ssyncadd.s32 $0xFFFFC000  }
0x41: {  	[tilespmem:s19], [sflag:$0x2] =	stream.indirect.gather [hbm4b:s6+s15], $0x80, s0, s15, $0xb8;
	[tilespmem:$0x1E800] =	vst v63  }
.LBB2_3:
0x42: {  	[tilespmem:s21], [sflag:$0x2] =	stream.indirect.gather [hbm4b:s6+s15], $0x80, s31, s15, $0xb8;
	[tilespmem:$0x1E800] =	vst v63  }
0x43: {  	s0 =	smov.u32 s30  }
0x44: {  	p0 =	sne.s32 s30, $0x4800;
	s30 =	sadd.s32 $0x400, s30;
	_ =	swait.ge [sflag:s22], $0x2000  }
0x45: {  	[sflag:s22] =	ssyncset.done $0x0  }
0x46: {  	[sflag:s22] =	ssyncadd.s32 $0xFFFFE000  }
0x47: {  	_ =	swait.ge [sflag:s22], $0x2000  }
0x48: {  	s0 =	sshra.s32 s0, $0x2;
	[sflag:s22] =	ssyncset.done $0x0  }
0x49: {  	s31 =	sadd.s32 $0x1400, s0;
	[sflag:s22] =	ssyncadd.s32 $0xFFFFE000  }
0x4a: {  	[spmem:s3] =	stream.indirect.scatter.add.f32 [tilespmem:s16], [sflag:$0x3], $0x80, s31, s18, $0xb8;
	[tilespmem:$0x1E800] =	vst v63  }
0x4b: {  	_ =	swait.ge [sflag:s23], $0x4000  }
0x4c: {  	[sflag:s23] =	ssyncset.done $0x0  }
0x4d: {  	s31 =	sadd.s32 $0x100, s0;
	[sflag:s23] =	ssyncadd.s32 $0xFFFFC000  }
0x4e: {  	[tilespmem:s16], [sflag:$0x1] =	stream.indirect.gather [hbm4b:s6+s15], $0x80, s31, s15, $0xb8;
	[tilespmem:$0x1E800] =	vst v63  }
0x4f: {  	s31 =	sadd.s32 $0x140, s0  }
0x50: {  	[tilespmem:s17], [sflag:$0x1] =	stream.indirect.gather [hbm4b:s6+s15], $0x80, s31, s15, $0xb8;
	[tilespmem:$0x1E800] =	vst v63  }
0x51: {  	_ =	swait.ge [sflag:s24], $0x2000  }
0x52: {  	[sflag:s24] =	ssyncset.done $0x0  }
0x53: {  	[sflag:s24] =	ssyncadd.s32 $0xFFFFE000  }
0x54: {  	_ =	swait.ge [sflag:s24], $0x2000  }
0x55: {  	[sflag:s24] =	ssyncset.done $0x0  }
0x56: {  	s31 =	sadd.s32 $0x1480, s0;
	[sflag:s24] =	ssyncadd.s32 $0xFFFFE000  }
0x57: {  	[spmem:s3] =	stream.indirect.scatter.add.f32 [tilespmem:s19], [sflag:$0x4], $0x80, s31, s18, $0xb8;
	[tilespmem:$0x1E800] =	vst v63  }
.Ltmp0:
0x58: {  	_ =	swait.ge [sflag:s25], $0x4000;
	(pc) =	sbr.rel @p0 .LBB2_3-.Ltmp0, $4  }
0x59: {  	[sflag:s25] =	ssyncset.done $0x0  }
0x5a: {  	s31 =	sadd.s32 $0x180, s0;
	[sflag:s25] =	ssyncadd.s32 $0xFFFFC000  }
0x5b: {  	[tilespmem:s19], [sflag:$0x2] =	stream.indirect.gather [hbm4b:s6+s15], $0x80, s31, s15, $0xb8;
	[tilespmem:$0x1E800] =	vst v63  }
0x5c: {  	s31 =	sadd.s32 $0x1C0, s0  }
0x5d: {  	[tilespmem:s21], [sflag:$0x2] =	stream.indirect.gather [hbm4b:s6+s15], $0x80, s31, s15, $0xb8;
	[tilespmem:$0x1E800] =	vst v63  }
0x5e: {  	_ =	swait.ge [sflag:s22], $0x2000  }
0x5f: {  	[sflag:s22] =	ssyncset.done $0x0  }
0x60: {  	[sflag:s22] =	ssyncadd.s32 $0xFFFFE000  }
0x61: {  	_ =	swait.ge [sflag:s22], $0x2000  }
0x62: {  	[sflag:s22] =	ssyncset.done $0x0  }
0x63: {  	[sflag:s22] =	ssyncadd.s32 $0xFFFFE000  }
0x64: {  	[spmem:s3] =	stream.indirect.scatter.add.f32 [tilespmem:s16], [sflag:$0x3], $0x80, s26, s18, $0xb8;
	[tilespmem:$0x1E800] =	vst v63  }
0x65: {  	_ =	swait.ge [sflag:s24], $0x2000  }
0x66: {  	[sflag:s24] =	ssyncset.done $0x0  }
0x67: {  	[sflag:s24] =	ssyncadd.s32 $0xFFFFE000  }
0x68: {  	_ =	swait.ge [sflag:s24], $0x2000  }
0x69: {  	[sflag:s24] =	ssyncset.done $0x0  }
0x6a: {  	s29 =	sadd.s32 $0x1, s29;
	[sflag:s24] =	ssyncadd.s32 $0xFFFFE000  }
0x6b: {  	[spmem:s3] =	stream.indirect.scatter.add.f32 [tilespmem:s19], [sflag:$0x4], $0x80, s28, s18, $0xb8;
	[tilespmem:$0x1E800] =	vst v63  }
0x6c: {  	p0 =	sne.s32 s29, $0x4;
	_ =	swait.ge [sflag:s23], $0x4000  }
.Ltmp1:
0x6d: {  	[sflag:s23] =	ssyncset.done $0x0;
	(pc) =	sbr.rel @p0 .LBB2_2-.Ltmp1, $4  }
0x6e: {  	[sflag:s23] =	ssyncadd.s32 $0xFFFFC000  }
0x6f: {  	_ =	swait.ge [sflag:s25], $0x4000  }
0x70: {  	[sflag:s25] =	ssyncset.done $0x0  }
0x71: {  	[sflag:s25] =	ssyncadd.s32 $0xFFFFC000  }
0x72: {  	s5 =	sadd.s32 $0x1, s5  }
0x73: {  	p0 =	sne.s32 s5, s11  }
.Ltmp2:
0x74: {  	[bflag:$0x0] =	sbarrier.arrive $0xFFFF;
	(pc) =	sbr.rel @p0 .LBB2_1-.Ltmp2, $4  }
0x75: {  	[hbm:s10], [sflag:s8] =	dma.local [spmem:s12], $0x2800  }
0x76: {  	_ =	swait.ge [sflag:s13], $0x2800  }
0x77: {  	[sflag:s13] =	ssyncset.done $0x0  }
0x78: {  	[sflag:s13] =	ssyncadd.s32 $0xFFFFD800  }
0x79: {  	_ =	sfence.sel $0x180000  }
0x7a: {  	[bflag:$0x0] =	sbarrier.arrive $0xFFFF  }
0x7b: {  	_ =	strace $0x9000004D  }
0x7c: {  	[bflag:$0x2] =	sbarrier.arrive $0xFFFF  }
0x7d: {  	p0 =	sne.s32 s4, $0x0;
	s0 =	rddreg [dreg:$0x4]  }
0x7e: {  	s0 =	sadd.s32 @!p0 $0x100000, s0  }
0x7f: {  	[sflag:s0] =	ssyncadd.tile.s32 @!p0 $0x1;
	_ =	shalt  }
.Lfunc_end2:
_tile_overlayer_lowered:
.L_overlay_start_2:
0x80: {  	(tag) =	ssettag $0x2  }
0x81: {  	s0 =	rddreg [dreg:$0x0];
	s2 =	stileid.u32  }
0x82: {  	s1 =	rddreg [dreg:$0x1];
	p0 =	sne.s32 s2, $0x0  }
0x83: {  	s3 =	rddreg [dreg:$0x2];
	[bflag:$0x3] =	sbarrier.arrive $0xFFFF;
	s2 =	simm.s32 @!p0 $0x1C05  }
0x84: {  	[timem:s3], [sflag:s2] =	dma.local @!p0 [hbm:s0], s1  }
0x85: {  	s0 =	simm.s32 @!p0 $0x5  }
0x86: {  	_ =	swait.ge @!p0 [sflag:s0], s1  }
0x87: {  	s1 =	ssub.s32 @!p0 $0x0, s1;
	[sflag:s0] =	ssyncset.done @!p0 $0x0  }
0x88: {  	[sflag:s0] =	ssyncadd.s32 @!p0 s1  }
0x89: {  	[bflag:$0x3] =	sbarrier.arrive $0xFFFF  }
0x8a: {  	_ =	shalt  }

// kernel: kernel.8.cloned.1.call-start
scs
__scs_entry_jumppad:
0x0: {  	(pc) =	sbr.rel $0x88, $3  }
0x1: {  	(tag) =	ssettag $0x0;
	lr =	simm.s32 $0x1  }
0x2: {  	[smem:$0x3F99] =	sst lr;
	_ =	strace $0xD0000000  }
0x3: {  	_ = 	snop  }
0x4: {  	_ = 	snop  }
0x5: {  	_ = 	snop  }
0x6: {  	_ = 	snop  }
0x7: {  	_ = 	snop  }
__scs_overlays_trampoline_lowered:
0x8: {  	[smem:$0x3FA8] =	sst s0  }
0x9: {  	[smem:$0x3FA9] =	sst s1  }
0xa: {  	[smem:$0x3FAA] =	sst s2  }
0xb: {  	[smem:$0x3FAB] =	sst s3  }
0xc: {  	[smem:$0x3FAC] =	sst s4  }
0xd: {  	[smem:$0x3FAD] =	sst s5  }
0xe: {  	[smem:$0x3FAE] =	sst s6  }
0xf: {  	[smem:$0x3FAF] =	sst s7  }
0x10: {  	[smem:$0x3FB0] =	sst s8  }
0x11: {  	[smem:$0x3FB1] =	sst s9;
	s0 =	simm.s32 @!p0 $0x0  }
0x12: {  	s1 =	sld [smem:$0x3F97];
	s0 =	simm.s32 @p0 $0x1  }
0x13: {  	[smem:$0x3FB2] =	sst s0;
	s0 =	simm.s32 @!p1 $0x0  }
0x14: {  	s2 =	sld [smem:$0x3F96];
	s0 =	simm.s32 @p1 $0x1  }
0x15: {  	[smem:$0x3FB3] =	sst s0;
	s0 =	simm.s32 @!p2 $0x0  }
0x16: {  	s3 =	sld [smem:$0x3FDB];
	s0 =	simm.s32 @p2 $0x1  }
0x17: {  	s4 =	simm.s32 $0x1BF5;
	[smem:$0x3FB5] =	sst s0  }
0x18: {  	s0 =	sld [smem:$0x3F98];
	_ =	swait.ge [sflag:s4], $0x0  }
0x19: {  	s7 =	sld [smem:$0x3F99]  }
0x1a: {  	s8 =	sadd.s32 $0xFFFFE003, lr  }
0x1b: {  	s9 =	sadd.s32 $0xFFFFFEF7, lr;
	s5 =	simm.s32 $0xFFFFFFFF;
	p2 =	slt.u32 s8, $0xFFFFF086  }
0x1c: {  	p1 =	slt.u32 s9, $0xF7A;
	s5 =	simm.s32 @!p2 $0x0  }
0x1d: {  	s5 =	simm.s32 @p1 $0x1;
	p0 =	seq.s32 s7, s2  }
0x1e: {  	s7 =	smul.u32 @!p0 $0xF7A, s2;
	p2 =	seq.s32 @!p0 s5, $0x0  }
0x1f: {  	s9 =	smul.u32 $0xF7A, s1;
	s8 =	simm.s32 @!p0 $0x1BF5;
	p2 =	por !p2, p0  }
0x20: {  	[sflag:s8] =	ssyncset.s32 @!p0 $0xFFFFF086;
	s6 =	sadd.s32 @!p0 s3, s7;
	s7 =	simm.s32 @!p0 $0x108  }
0x21: {  	s3 =	sadd.s32 s3, s9;
	s6 =	sadd.s32 @!p0 $0x88, s6;
	s7 =	simm.s32 @p2 $0x1082  }
0x22: {  	[simem:s7], [sflag:s8] =	dma.local @!p0 [hbm:s6], $0xF7A  }
0x23: {  	s9 =	sor.u32 $0xD0000000, s2;
	s6 =	simm.s32 $0x108;
	_ =	swait.ge @!p0 [sflag:s8], $0x0  }
0x24: {  	s3 =	sadd.s32 $0x88, s3;
	s6 =	simm.s32 @!p1 $0x1082;
	[sflag:s4] =	ssyncset.s32 $0xFFFFF086  }
0x25: {  	[simem:s6], [sflag:s4] =	dma.local [hbm:s3], $0xF7A  }
0x26: {  	[smem:$0x3F99] =	sst s1;
	(tag) =	ssettag s2;
	_ =	strace s9  }
0x27: {  	s1 =	sld [smem:$0x3FA9]  }
0x28: {  	s2 =	sld [smem:$0x3FAA]  }
0x29: {  	s4 =	sld [smem:$0x3FAC]  }
0x2a: {  	p0 =	seq.s32 s5, $0x0;
	s5 =	sld [smem:$0x3FAD]  }
0x2b: {  	s6 =	sld [smem:$0x3FAE]  }
0x2c: {  	s7 =	sld [smem:$0x3FAF]  }
0x2d: {  	s3 =	simm.s32 $0x108;
	s8 =	sld [smem:$0x3FB0]  }
0x2e: {  	s3 =	simm.s32 @!p0 $0x1082;
	s9 =	sld [smem:$0x3FB1]  }
0x2f: {  	lr =	sadd.s32 s0, s3;
	s0 =	sld [smem:$0x3FA8]  }
0x30: {  	s3 =	sld [smem:$0x3FAB]  }
0x31: {  	[smem:$0x3FB4] =	sst s10  }
0x32: {  	s10 =	sld [smem:$0x3FB2];
	_ =	sdelay $0x3  }
0x33: {  	p0 =	seq.s32 s10, $0x1;
	s10 =	sld [smem:$0x3FB4];
	_ =	sdelay $0x3  }
0x34: {  	[smem:$0x3FB4] =	sst s10  }
0x35: {  	s10 =	sld [smem:$0x3FB3];
	_ =	sdelay $0x3  }
0x36: {  	p1 =	seq.s32 s10, $0x1;
	s10 =	sld [smem:$0x3FB4];
	_ =	sdelay $0x3  }
0x37: {  	[smem:$0x3FB4] =	sst s10  }
0x38: {  	s10 =	sld [smem:$0x3FB5]  }
0x39: {  	_ = 	snop;
	(pc) =	sbr.ind lr, $3  }
0x3a: {  	_ = 	snop  }
0x3b: {  	_ = 	snop  }
0x3c: {  	p2 =	seq.s32 s10, $0x1;
	s10 =	sld [smem:$0x3FB4]  }
0x3d: {  	_ =	shalt  }
0x3e: {  	_ =	shalt  }
0x3f: {  	_ =	shalt  }
0x40: {  	_ =	shalt  }
0x41: {  	_ =	shalt  }
0x42: {  	_ =	shalt  }
0x43: {  	_ =	shalt  }
0x44: {  	_ =	shalt  }
0x45: {  	_ =	shalt  }
0x46: {  	_ =	shalt  }
0x47: {  	_ =	shalt  }
0x48: {  	_ =	shalt  }
0x49: {  	_ =	shalt  }
0x4a: {  	_ =	shalt  }
0x4b: {  	_ =	shalt  }
0x4c: {  	_ =	shalt  }
0x4d: {  	_ =	shalt  }
0x4e: {  	_ =	shalt  }
0x4f: {  	_ =	shalt  }
0x50: {  	_ =	shalt  }
0x51: {  	_ =	shalt  }
0x52: {  	_ =	shalt  }
0x53: {  	_ =	shalt  }
0x54: {  	_ =	shalt  }
0x55: {  	_ =	shalt  }
0x56: {  	_ =	shalt  }
0x57: {  	_ =	shalt  }
0x58: {  	_ =	shalt  }
0x59: {  	_ =	shalt  }
0x5a: {  	_ =	shalt  }
0x5b: {  	_ =	shalt  }
0x5c: {  	_ =	shalt  }
0x5d: {  	_ =	shalt  }
0x5e: {  	_ =	shalt  }
0x5f: {  	_ =	shalt  }
0x60: {  	_ =	shalt  }
0x61: {  	_ =	shalt  }
0x62: {  	_ =	shalt  }
0x63: {  	_ =	shalt  }
0x64: {  	_ =	shalt  }
0x65: {  	_ =	shalt  }
0x66: {  	_ =	shalt  }
0x67: {  	_ =	shalt  }
0x68: {  	_ =	shalt  }
0x69: {  	_ =	shalt  }
0x6a: {  	_ =	shalt  }
0x6b: {  	_ =	shalt  }
0x6c: {  	_ =	shalt  }
0x6d: {  	_ =	shalt  }
0x6e: {  	_ =	shalt  }
0x6f: {  	_ =	shalt  }
0x70: {  	_ =	shalt  }
0x71: {  	_ =	shalt  }
0x72: {  	_ =	shalt  }
0x73: {  	_ =	shalt  }
0x74: {  	_ =	shalt  }
0x75: {  	_ =	shalt  }
0x76: {  	_ =	shalt  }
0x77: {  	_ =	shalt  }
0x78: {  	_ =	shalt  }
0x79: {  	_ =	shalt  }
0x7a: {  	_ =	shalt  }
0x7b: {  	_ =	shalt  }
0x7c: {  	_ =	shalt  }
0x7d: {  	_ =	shalt  }
0x7e: {  	_ =	shalt  }
0x7f: {  	_ =	shalt  }
0x80: {  	_ =	shalt  }
0x81: {  	_ =	shalt  }
0x82: {  	_ =	shalt  }
0x83: {  	_ =	shalt  }
0x84: {  	_ =	shalt  }
0x85: {  	_ =	shalt  }
0x86: {  	_ =	shalt  }
0x87: {  	_ =	shalt  }
.Lfunc_end0:
.L_simem_size_0:
called_computation_lowered:
.L_overlay_start_0:
0x88: {  	s2 =	sld [smem:$0x3FD9]  }
0x89: {  	s3 =	sld [smem:$0x3FFE];
	_ =	sdelay $0x1  }
0x8a: {  	s1 =	srdreg.scid  }
0x8b: {  	s0 =	sand.u32 $0x1, s1  }
0x8c: {  	s14 =	sshll.u32 s0, $0xA;
	s2 =	sadd.s32 s3, s2  }
0x8d: {  	s2 =	sadd.s32 s2, s14  }
0x8e: {  	[smem:$0x3FC0] =	sst s2  }
0x8f: {  	_ = 	snop  }
0x90: {  	s2 =	sld [smem:$0x3FD0];
	_ =	sdelay $0x2  }
0x91: {  	s15 =	simm.s32 $0xA;
	s4 =	simm.s32 $0x10  }
0x92: {  	[smem:s4], [sflag:s15] =	dma.local [hbm:s2], $0x1  }
0x93: {  	_ =	swait.eq [sflag:s15], $0x1  }
0x94: {  	[sflag:s15] =	ssyncset.done $0x0  }
0x95: {  	[sflag:s15] =	ssyncadd.s32 $0xFFFFFFFF  }
0x96: {  	s16 =	sld [smem:$0x10];
	(tm) =	ssettm $0x1  }
0x97: {  	s17 =	sld [smem:$0x3FFB];
	_ =	sdelay $0x3  }
0x98: {  	_ =	strace s17  }
0x99: {  	s3 =	sld [smem:$0x3FFC];
	_ =	sdelay $0x3  }
0x9a: {  	_ =	strace s3  }
0x9b: {  	s3 =	sld [smem:$0x3FFD];
	_ =	sdelay $0x3  }
0x9c: {  	_ =	strace s3  }
0x9d: {  	_ =	strace $0x8FFFFFFF  }
0x9e: {  	s18 =	sld [smem:$0x3FDB];
	_ =	sdelay $0x1  }
0x9f: {  	s19 =	simm.s32 $_scs_section_size  }
0xa0: {  	s5 =	simm.s32 $_size__tile_overlayer_lowered;
	s6 =	simm.s32 $_tile_overlayer_lowered  }
0xa1: {  	s22 =	simm.s32 $0x1BFF;
	s21 =	sshll.u32 s6, $0x1;
	s3 =	sadd.s32 s19, s18  }
0xa2: {  	s7 =	simm.s32 $0x0;
	s20 =	sshll.u32 s5, $0x1;
	s5 =	sadd.s32 s21, s3  }
0xa3: {  	[timem:s7], [sflag:s22] =	dma.local [hbm:s5], s20  }
0xa4: {  	_ =	swait.ge [sflag:s22], s20  }
0xa5: {  	s4 =	ssub.s32 $0x0, s20;
	[sflag:s22] =	ssyncset.done $0x0  }
0xa6: {  	[sflag:s22] =	ssyncadd.s32 s4;
	_ =	sdelay $0x1  }
0xa7: {  	s23 =	simm.s32 $0x1B8B  }
0xa8: {  	_ =	swait.ge [sflag:s23], $0x1  }
0xa9: {  	[sflag:s23] =	ssyncset.done $0x0  }
0xaa: {  	s25 =	simm.s32 $0x1B8E;
	s24 =	sld [smem:$0x3FFE];
	[sflag:s23] =	ssyncadd.s32 $0xFFFFFFFF  }
0xab: {  	s26 =	simm.s32 $execute0_lowered;
	[smem:$0x3FD2] =	sst s25  }
0xac: {  	s5 =	sshll.u32 s26, $0x1;
	_ =	strace $0x80000046;
	[dreg:$0x1] =	wrdreg $0xFFFFFFFF  }
0xad: {  	s28 =	simm.s32 $_size_execute0_lowered;
	s3 =	sadd.s32 s3, s5;
	[dreg:$0x0] =	wrdreg $0x0  }
0xae: {  	s5 =	sshll.u32 s28, $0x1;
	[dreg:$0x2] =	wrdreg s3  }
0xaf: {  	[dreg:$0x3] =	wrdreg s5  }
0xb0: {  	[dreg:$0x4] =	wrdreg $0xC0  }
0xb1: {  	_ =	task [dreg:s7], $0x5FFFF  }
0xb2: {  	[dreg:$0x1] =	wrdreg $0xFFFFFFFF  }
0xb3: {  	[dreg:$0x0] =	wrdreg $0x60  }
0xb4: {  	[dreg:$0x2] =	wrdreg s16  }
0xb5: {  	[dreg:$0x3] =	wrdreg s24  }
0xb6: {  	[dreg:$0x4] =	wrdreg $0x90000  }
0xb7: {  	[dreg:$0x5] =	wrdreg $0x9  }
0xb8: {  	_ =	task.clear_ibuf [dreg:s7], $0x6FFFF;
	_ =	strace $0x90000046  }
0xb9: {  	s29 =	simm.s32 $0x9;
	_ =	strace $0x80000048  }
0xba: {  	_ =	swait.ge [sflag:s29], $0x1  }
0xbb: {  	[sflag:s29] =	ssyncadd.s32 $0xFFFFFFFF  }
0xbc: {  	_ =	strace $0x90000048  }
0xbd: {  	_ =	sfence  }
0xbe: {  	s30 =	sld [smem:$0x0];
	_ =	sdelay $0x2  }
0xbf: {  	s31 =	sshll.u32 s1, $0xD;
	s1 =	sshrl.u32 s1, $0x2  }
0xc0: {  	s3 =	sand.u32 $0x4000, s31;
	s1 =	sadd.s32 s1, s30  }
0xc1: {  	s0 =	sor.u32 s3, s0;
	s1 =	sshll.u32 s1, $0x11  }
0xc2: {  	s0 =	sor.u32 s1, s0  }
0xc3: {  	s0 =	sadd.s32 $0x8F2B, s0  }
0xc4: {  	[sflag:s0] =	ssyncadd.remote.s32 $0x1  }
0xc5: {  	_ =	sfence.sel $0xFFFF  }
0xc6: {  	[dreg:$0x0] =	wrdreg $0xFFFFFFFF;
	(pc) =	sbr.abs _section_cstart, $3  }
0xc7: {  	[dreg:$0x1] =	wrdreg $0xFFFFFFFF  }
0xc8: {  	_ =	task.clear_ibuf [dreg:s7], $0x2FFFF;
	_ =	strace $0x9FFFFFFF  }
0xc9: {  	(tm) =	ssettm $0x7FFFFFFF  }
tec
execute0_lowered:
.L_overlay_start_1:
0x0: {  	(tag) =	ssettag $0x1  }
0x1: {  	s6 =	rddreg [dreg:$0x0]  }
0x2: {  	s0 =	srdreg.scid;
	s7 =	rddreg [dreg:$0x1]  }
0x3: {  	s2 =	rddreg [dreg:$0x2];
	s1 =	stileid.u32;
	s3 =	simm.s32 $0x0  }
0x4: {  	s13 =	simm.s32 $0x80;
	s8 =	sand.u32 $0x1, s0;
	s0 =	rddreg [dreg:$0x3]  }
0x5: {  	s14 =	simm.s32 $0x0;
	[smem:$0x7FF] =	sst s3;
	s11 =	smul.u32 $0x50000, s1  }
0x6: {  	s5 =	sadd.s32 $0x2600, s7;
	s31 =	sshll.u32 s1, $0x6;
	s4 =	sshll.u32 s8, $0x4  }
0x7: {  	_ =	strace $0x80000047;
	s8 =	ssub.s32 $0x2, s8;
	s9 =	sor.u32 s1, s4  }
0x8: {  	s4 =	sadd.s32 $0x1E00, s7;
	s30 =	sshrl.u32 s8, $0x1;
	s10 =	smul.u32 $0x2800, s9  }
0x9: {  	s11 =	sshrl.u32 s11, $0x2;
	s9 =	smul.u32 $0xA00, s9;
	s8 =	ssub.s32 s8, s30  }
0xa: {  	s12 =	sadd.s32 s11, s2;
	s11 =	sor.u32 $0x1C01, s31;
	s8 =	smax.u32 s8, $0x1  }
0xb: {  	s12 =	sshrl.u32 s12, $0x3;
	s7 =	sadd.s32 s10, s7;
	s6 =	sadd.s32 s6, s9  }
0xc: {  	s9 =	simm.s32 $0x1;
	s10 =	simm.s32 $0x5000;
	s7 =	sadd.s32 $0x4E00, s7  }
.LBB2_1:
0xd: {  	[tilespmem:s3], [sflag:$0x1] =	stream.linear.gather [hbm4b:s6+s3], $0x5000, $0x38;
	[tilespmem:$0x1D000] =	vst v63  }
0xe: {  	_ =	swait.ge [sflag:s9], $0x5000  }
0xf: {  	[sflag:s9] =	ssyncset.done $0x0  }
0x10: {  	[sflag:s9] =	ssyncadd.s32 $0xFFFFB000  }
0x11: {  	[tilespmem:s10], [sflag:$0x1] =	stream.linear.gather [hbm4b:s4+s3], $0x4000, $0x38;
	[tilespmem:$0x1D000] =	vst v63  }
0x12: {  	_ =	swait.ge [sflag:s9], $0x4000  }
0x13: {  	[sflag:s9] =	ssyncset.done $0x0  }
0x14: {  	[sflag:s9] =	ssyncadd.s32 $0xFFFFC000  }
0x15: {  	[spmem:s12], [sflag:s11] =	dma.local [hbm:s5], $0x2800  }
0x16: {  	_ =	swait.ge [sflag:s9], $0x2800  }
0x17: {  	[sflag:s9] =	ssyncset.done $0x0  }
0x18: {  	[sflag:s9] =	ssyncadd.s32 $0xFFFFD800  }
0x19: {  	s15 =	simm.s32 $0x0;
	[bflag:$0x0] =	sbarrier.arrive $0xFFFF  }
0x1a: {  	[spmem:s2] =	stream.indirect.scatter.add.f32 [tilespmem:s10], [sflag:$0x1], $0x80, s15, s13, $0xb8;
	[tilespmem:$0x1D000] =	vst v63  }
0x1b: {  	_ =	swait.ge [sflag:s9], $0x4000  }
0x1c: {  	s15 =	simm.s32 $0x200;
	[sflag:s9] =	ssyncset.done $0x0  }
.LBB2_2:
0x1d: {  	s16 =	sshra.s32 s15, $0x2;
	[sflag:s9] =	ssyncadd.s32 $0xFFFFC000;
	p0 =	sne.s32 s15, $0x13E00  }
0x1e: {  	[spmem:s2] =	stream.indirect.scatter.add.f32 [tilespmem:s10], [sflag:$0x1], $0x80, s16, s13, $0xb8;
	[tilespmem:$0x1D000] =	vst v63  }
.Ltmp0:
0x1f: {  	_ = 	snop;
	(pc) =	sbr.rel @p0 .LBB2_2-.Ltmp0, $4  }
0x20: {  	_ = 	snop  }
0x21: {  	s15 =	sadd.s32 $0x200, s15  }
0x22: {  	_ =	swait.ge [sflag:s9], $0x4000  }
0x23: {  	[sflag:s9] =	ssyncset.done $0x0  }
0x24: {  	s14 =	sadd.s32 $0x1, s14  }
0x25: {  	[sflag:s9] =	ssyncadd.s32 $0xFFFFC000;
	p0 =	sne.s32 s14, s8  }
.Ltmp1:
0x26: {  	[bflag:$0x0] =	sbarrier.arrive $0xFFFF;
	(pc) =	sbr.rel @p0 .LBB2_1-.Ltmp1, $4  }
0x27: {  	[hbm:s7], [sflag:s11] =	dma.local [spmem:s12], $0x2800  }
0x28: {  	_ =	swait.ge [sflag:s9], $0x2800  }
0x29: {  	[sflag:s9] =	ssyncset.done $0x0  }
0x2a: {  	[sflag:s9] =	ssyncadd.s32 $0xFFFFD800  }
0x2b: {  	_ =	sfence.sel $0x180000  }
0x2c: {  	[bflag:$0x0] =	sbarrier.arrive $0xFFFF  }
0x2d: {  	p0 =	sne.s32 s1, $0x0;
	_ =	strace $0x90000047  }
0x2e: {  	s0 =	sadd.s32 @!p0 $0x100000, s0;
	[bflag:$0x2] =	sbarrier.arrive $0xFFFF  }
0x2f: {  	[sflag:s0] =	ssyncadd.tile.s32 @!p0 $0x1;
	_ =	shalt  }
.Lfunc_end2:
_tile_overlayer_lowered:
.L_overlay_start_2:
0x30: {  	(tag) =	ssettag $0x2  }
0x31: {  	s0 =	rddreg [dreg:$0x0];
	s2 =	stileid.u32  }
0x32: {  	s1 =	rddreg [dreg:$0x1];
	p0 =	sne.s32 s2, $0x0  }
0x33: {  	s3 =	rddreg [dreg:$0x2];
	[bflag:$0x3] =	sbarrier.arrive $0xFFFF;
	s2 =	simm.s32 @!p0 $0x1C01  }
0x34: {  	[timem:s3], [sflag:s2] =	dma.local @!p0 [hbm:s0], s1  }
0x35: {  	s0 =	simm.s32 @!p0 $0x1  }
0x36: {  	_ =	swait.ge @!p0 [sflag:s0], s1  }
0x37: {  	s1 =	ssub.s32 @!p0 $0x0, s1;
	[sflag:s0] =	ssyncset.done @!p0 $0x0  }
0x38: {  	[sflag:s0] =	ssyncadd.s32 @!p0 s1  }
0x39: {  	[bflag:$0x3] =	sbarrier.arrive $0xFFFF  }
0x3a: {  	_ =	shalt  }

</sc_bundles>
